<compile_context>
chip_gen: v7x
topology: tpu7x:2x2x1
jax: 0.10.2.dev20260603
libtpu: 0.0.44.dev20260713+nightly
codegen_flags: <defaults>
</compile_context>

<pallas_src>
import functools

import jax
import jax.numpy as jnp
from jax import lax
from jax.experimental import pallas as pl
from jax.experimental.pallas import tpu as pltpu
from jax.experimental.pallas import tpu_sc as plsc

VOCAB = 1000000
D = 50
DP = 128
BATCH = 4096
SEQ = 200

NUM_WORKERS = 32
EPW = BATCH // NUM_WORKERS
CHA = 128
CHB = SEQ - CHA


def _sc_gather_pool(idx_flat, tab56):
    mesh = plsc.VectorSubcoreMesh(core_axis_name="c", subcore_axis_name="s")

    @functools.partial(
        pl.kernel,
        mesh=mesh,
        out_type=jax.ShapeDtypeStruct((BATCH * D,), jnp.float32),
        compiler_params=pltpu.CompilerParams(use_tc_tiling_on_sc=False, needs_layout_passes=False),
        scratch_types=[
            pltpu.VMEM((EPW * SEQ,), jnp.int32),
            pltpu.VMEM((CHA, DP), jnp.float32),
            pltpu.VMEM((CHB, DP), jnp.float32),
            pltpu.VMEM((CHA, DP), jnp.float32),
            pltpu.VMEM((CHB, DP), jnp.float32),
            pltpu.VMEM((EPW * D,), jnp.float32),
            pltpu.SemaphoreType.DMA,
            pltpu.SemaphoreType.DMA,
        ],
    )
    def k(idx_hbm, tab_hbm, out_hbm, idx_v, bufa0, bufb0, bufa1, bufb1,
          outbuf, sem0, sem1):
        wid = lax.axis_index("s") * 2 + lax.axis_index("c")
        pltpu.sync_copy(idx_hbm.at[pl.ds(wid * (EPW * SEQ), EPW * SEQ)], idx_v)

        def accumulate(b, bufa, bufb):
            def body(r, accs):
                a0, a1, a2, a3 = accs
                a0 += bufa[r, pl.ds(0, 16)]
                a1 += bufa[r, pl.ds(16, 16)]
                a2 += bufa[r, pl.ds(32, 16)]
                a3 += bufa[r, pl.ds(34, 16)]
                return (a0, a1, a2, a3)

            def body2(r, accs):
                a0, a1, a2, a3 = accs
                a0 += bufb[r, pl.ds(0, 16)]
                a1 += bufb[r, pl.ds(16, 16)]
                a2 += bufb[r, pl.ds(32, 16)]
                a3 += bufb[r, pl.ds(34, 16)]
                return (a0, a1, a2, a3)

            z = jnp.zeros((16,), jnp.float32)
            accs = lax.fori_loop(0, CHA, body, (z, z, z, z), unroll=4)
            a0, a1, a2, a3 = lax.fori_loop(0, CHB, body2, accs, unroll=4)
            s = jnp.float32(1.0 / SEQ)
            off = b * D
            outbuf[pl.ds(off, 16)] = a0 * s
            outbuf[pl.ds(off + 16, 16)] = a1 * s
            outbuf[pl.ds(off + 32, 16)] = a2 * s
            outbuf[pl.ds(off + 34, 16)] = a3 * s

        def fire(b, bufa, bufb, sem):
            pltpu.async_copy(
                tab_hbm.at[idx_v.at[pl.ds(b * SEQ, CHA)]], bufa, sem)
            pltpu.async_copy(
                tab_hbm.at[idx_v.at[pl.ds(b * SEQ + CHA, CHB)]], bufb, sem)

        def wait_set(bufa, bufb, sem):
            pltpu.make_async_copy(
                tab_hbm.at[idx_v.at[pl.ds(0, CHA)]], bufa, sem).wait()
            pltpu.make_async_copy(
                tab_hbm.at[idx_v.at[pl.ds(0, CHB)]], bufb, sem).wait()

        fire(0, bufa0, bufb0, sem0)
        fire(1, bufa1, bufb1, sem1)

        def it(i, carry):
            b = 2 * i
            wait_set(bufa0, bufb0, sem0)
            accumulate(b, bufa0, bufb0)
            fire(b + 2, bufa0, bufb0, sem0)
            wait_set(bufa1, bufb1, sem1)
            accumulate(b + 1, bufa1, bufb1)
            fire(b + 3, bufa1, bufb1, sem1)
            return carry

        lax.fori_loop(0, EPW // 2 - 1, it, 0)
        wait_set(bufa0, bufb0, sem0)
        accumulate(EPW - 2, bufa0, bufb0)
        wait_set(bufa1, bufb1, sem1)
        accumulate(EPW - 1, bufa1, bufb1)
        pltpu.sync_copy(outbuf, out_hbm.at[pl.ds(wid * (EPW * D), EPW * D)])

    return k(idx_flat, tab56)


def _tc_mlp(pooled, W1, b1, gamma, beta, W2p, b2p):
    def body(x_ref, w1_ref, b1_ref, g_ref, be_ref, w2_ref, b2_ref, o_ref):
        x = x_ref[:]
        h = jnp.dot(x, w1_ref[:], preferred_element_type=jnp.float32) + b1_ref[:]
        mu = jnp.mean(h, axis=0, keepdims=True)
        d = h - mu
        var = jnp.mean(d * d, axis=0, keepdims=True)
        y = d * (g_ref[:] * lax.rsqrt(var + 1e-5)) + be_ref[:]
        o_ref[:] = jnp.dot(y, w2_ref[:], preferred_element_type=jnp.float32) + b2_ref[:]

    return pl.pallas_call(
        body,
        out_shape=jax.ShapeDtypeStruct((BATCH, 128), jnp.float32),
    )(pooled, W1, b1, gamma, beta, W2p, b2p)


def kernel(inp, table, W1, b1, gamma, beta, W2, b2):
    idx_flat = inp.astype(jnp.int32).reshape(BATCH * SEQ)
    tab56 = jnp.pad(table, ((0, 0), (0, DP - D)))
    pooled = _sc_gather_pool(idx_flat, tab56).reshape(BATCH, D)
    W2p = jnp.pad(W2, ((0, 0), (0, 126)))
    b2p = jnp.pad(b2, (0, 126)).reshape(1, 128)
    out = _tc_mlp(
        pooled,
        W1,
        b1.reshape(1, 200),
        gamma.reshape(1, 200),
        beta.reshape(1, 200),
        W2p,
        b2p,
    )
    return out[:, :2]

# --- scband reference (transcript-rebuilt; emitter-appended) ---
"""Pipeline reference for scband-fast-text-49615462203656 (READ-ONLY COPY).

The authoritative reference and input builder live on the scoring server;
editing this copy changes nothing except your own understanding.
"""

import jax, jax.numpy as jnp
import numpy as np

VOCAB = 1000000
EMBED_DIM = 50
BATCH = 4096
SEQ = 200

def setup_inputs(seed: int = 0) -> dict:
    key = jax.random.key(seed)
    k_inp, k_tab, k_w1, k_b1, k_g, k_be, k_w2, k_b2 = jax.random.split(key, 8)
    inp = jax.random.randint(k_inp, (BATCH, SEQ), 0, VOCAB, dtype=jnp.int64 if jax.config.jax_enable_x64 else jnp.int32)
    table = jax.random.normal(k_tab, (VOCAB, EMBED_DIM), dtype=jnp.float32) * 0.02
    W1 = jax.random.normal(k_w1, (EMBED_DIM, 200), dtype=jnp.float32) * (1.0 / np.sqrt(EMBED_DIM))
    b1 = jnp.zeros((200,), dtype=jnp.float32)
    gamma = jnp.ones((200,), dtype=jnp.float32)
    beta = jnp.zeros((200,), dtype=jnp.float32)
    W2 = jax.random.normal(k_w2, (200, 2), dtype=jnp.float32) * (1.0 / np.sqrt(200.0))
    b2 = jnp.zeros((2,), dtype=jnp.float32)
    return {"inp": inp, "table": table, "W1": W1, "b1": b1, "gamma": gamma, "beta": beta, "W2": W2, "b2": b2}

def reference(inp, table, W1, b1, gamma, beta, W2, b2):
    # embedding lookup (gather)
    x = jnp.take(table, inp, axis=0)            # [B, S, D]
    x = jnp.mean(x, axis=1)                     # [B, D]
    x = x @ W1 + b1                             # [B, 200]
    # BatchNorm1d (training mode: batch statistics, biased variance)
    mu = jnp.mean(x, axis=0)
    var = jnp.var(x, axis=0)
    x = (x - mu) / jnp.sqrt(var + 1e-5) * gamma + beta
    out = x @ W2 + b2                           # [B, 2]
    return out

if __name__ == "__main__":
    import jax
    _d = setup_inputs()
    print(jax.jit(kernel)(*tuple(_d.values())))

</pallas_src>

<mosaic_0001>
#map = affine_map<(d0, d1) -> (0)>
#map1 = affine_map<(d0, d1) -> (0, 0)>
module attributes {stable_mosaic.version = 14 : i64} {
  func.func @k(%arg0: i32, %arg1: i32, %arg2: memref<819200xi32, #tpu.memory_space<hbm>>, %arg3: memref<1000000x128xf32, #tpu.memory_space<hbm>>, %arg4: memref<204800xf32, #tpu.memory_space<hbm>>, %arg5: memref<25600xi32, #tpu.memory_space<vmem>>, %arg6: memref<128x128xf32, #tpu.memory_space<vmem>>, %arg7: memref<72x128xf32, #tpu.memory_space<vmem>>, %arg8: memref<128x128xf32, #tpu.memory_space<vmem>>, %arg9: memref<72x128xf32, #tpu.memory_space<vmem>>, %arg10: memref<6400xf32, #tpu.memory_space<vmem>>, %arg11: memref<!tpu.dma_semaphore, #tpu.memory_space<semaphore_mem>>, %arg12: memref<!tpu.dma_semaphore, #tpu.memory_space<semaphore_mem>>) attributes {dimension_semantics = [#tpu.dimension_semantics<core_parallel>, #tpu.dimension_semantics<subcore_parallel>], iteration_bounds = array<i64: 2, 16>, scalar_prefetch = 0 : i64, scratch_operands = 8 : i64, tpu.core_type = #tpu.core_type<sc_vector_subcore>, window_params = [{transform_indices = #map}, {transform_indices = #map1}, {transform_indices = #map}]} {
    %mul3A = arith.constant 2 : i32
    %mul3A_0 = arith.muli %arg1, %mul3A : i32
    %add3A = arith.addi %mul3A_0, %arg0 : i32
    %mul3A_1 = arith.constant 25600 : i32
    %mul3A_2 = arith.muli %add3A, %mul3A_1 : i32
    "tpu.region"() ({
      %run_scoped3A = tpu.sem_alloc : memref<!tpu.dma_semaphore, #tpu.memory_space<semaphore_mem>>
      %dma_start3A_114 = tpu.memref_slice %arg2[%mul3A_2] : memref<819200xi32, #tpu.memory_space<hbm>> -> memref<25600xi32, #tpu.memory_space<hbm>>
      %dma_start3A_115 = tpu.memref_slice %arg2[%mul3A_2] : memref<819200xi32, #tpu.memory_space<hbm>> -> memref<25600xi32, #tpu.memory_space<hbm>>
      tpu.enqueue_dma source(%dma_start3A_115 : memref<25600xi32, #tpu.memory_space<hbm>>) target(%arg5 : memref<25600xi32, #tpu.memory_space<vmem>>) target_semaphore(%run_scoped3A : memref<!tpu.dma_semaphore, #tpu.memory_space<semaphore_mem>>)
      %dma_wait3A_116 = tpu.memref_slice %arg2[%mul3A_2] : memref<819200xi32, #tpu.memory_space<hbm>> -> memref<25600xi32, #tpu.memory_space<hbm>>
      %dma_wait3A_117 = tpu.memref_slice %arg2[%mul3A_2] : memref<819200xi32, #tpu.memory_space<hbm>> -> memref<25600xi32, #tpu.memory_space<hbm>>
      tpu.wait_dma2 semaphore(%run_scoped3A : memref<!tpu.dma_semaphore, #tpu.memory_space<semaphore_mem>>) src(%dma_wait3A_117 : memref<25600xi32, #tpu.memory_space<hbm>>) dst(%arg5 : memref<25600xi32, #tpu.memory_space<vmem>>)
      tpu.yield
    }) : () -> ()
    %dma_start3A = arith.constant 0 : i32
    %dma_start3A_3 = tpu.memref_slice %arg5[%dma_start3A] : memref<25600xi32, #tpu.memory_space<vmem>> -> memref<128xi32, #tpu.memory_space<vmem>>
    %dma_start3A_4 = arith.constant 0 : i32
    %dma_start3A_5 = arith.constant 0 : i32
    %dma_start3A_6 = tpu.memref_slice %arg3[%dma_start3A_4, %dma_start3A_5] : memref<1000000x128xf32, #tpu.memory_space<hbm>> -> memref<1000000x128xf32, #tpu.memory_space<hbm>>
    tpu.enqueue_indirect_dma source(%dma_start3A_6 : memref<1000000x128xf32, #tpu.memory_space<hbm>>) target(%arg6 : memref<128x128xf32, #tpu.memory_space<vmem>>) offsets(%dma_start3A_3 : memref<128xi32, #tpu.memory_space<vmem>>) semaphore(%arg11 : memref<!tpu.dma_semaphore, #tpu.memory_space<semaphore_mem>>)
    %dma_start3A_7 = arith.constant 128 : i32
    %dma_start3A_8 = tpu.memref_slice %arg5[%dma_start3A_7] : memref<25600xi32, #tpu.memory_space<vmem>> -> memref<72xi32, #tpu.memory_space<vmem>>
    %dma_start3A_9 = arith.constant 0 : i32
    %dma_start3A_10 = arith.constant 0 : i32
    %dma_start3A_11 = tpu.memref_slice %arg3[%dma_start3A_9, %dma_start3A_10] : memref<1000000x128xf32, #tpu.memory_space<hbm>> -> memref<1000000x128xf32, #tpu.memory_space<hbm>>
    tpu.enqueue_indirect_dma source(%dma_start3A_11 : memref<1000000x128xf32, #tpu.memory_space<hbm>>) target(%arg7 : memref<72x128xf32, #tpu.memory_space<vmem>>) offsets(%dma_start3A_8 : memref<72xi32, #tpu.memory_space<vmem>>) semaphore(%arg11 : memref<!tpu.dma_semaphore, #tpu.memory_space<semaphore_mem>>)
    %dma_start3A_12 = arith.constant 200 : i32
    %dma_start3A_13 = tpu.memref_slice %arg5[%dma_start3A_12] : memref<25600xi32, #tpu.memory_space<vmem>> -> memref<128xi32, #tpu.memory_space<vmem>>
    %dma_start3A_14 = arith.constant 0 : i32
    %dma_start3A_15 = arith.constant 0 : i32
    %dma_start3A_16 = tpu.memref_slice %arg3[%dma_start3A_14, %dma_start3A_15] : memref<1000000x128xf32, #tpu.memory_space<hbm>> -> memref<1000000x128xf32, #tpu.memory_space<hbm>>
    tpu.enqueue_indirect_dma source(%dma_start3A_16 : memref<1000000x128xf32, #tpu.memory_space<hbm>>) target(%arg8 : memref<128x128xf32, #tpu.memory_space<vmem>>) offsets(%dma_start3A_13 : memref<128xi32, #tpu.memory_space<vmem>>) semaphore(%arg12 : memref<!tpu.dma_semaphore, #tpu.memory_space<semaphore_mem>>)
    %dma_start3A_17 = arith.constant 328 : i32
    %dma_start3A_18 = tpu.memref_slice %arg5[%dma_start3A_17] : memref<25600xi32, #tpu.memory_space<vmem>> -> memref<72xi32, #tpu.memory_space<vmem>>
    %dma_start3A_19 = arith.constant 0 : i32
    %dma_start3A_20 = arith.constant 0 : i32
    %dma_start3A_21 = tpu.memref_slice %arg3[%dma_start3A_19, %dma_start3A_20] : memref<1000000x128xf32, #tpu.memory_space<hbm>> -> memref<1000000x128xf32, #tpu.memory_space<hbm>>
    tpu.enqueue_indirect_dma source(%dma_start3A_21 : memref<1000000x128xf32, #tpu.memory_space<hbm>>) target(%arg9 : memref<72x128xf32, #tpu.memory_space<vmem>>) offsets(%dma_start3A_18 : memref<72xi32, #tpu.memory_space<vmem>>) semaphore(%arg12 : memref<!tpu.dma_semaphore, #tpu.memory_space<semaphore_mem>>)
    %scan3A = arith.constant 0 : i32
    %scan3A_22 = arith.constant 0 : i32
    %scan3A_23 = arith.constant 63 : i32
    %scan3A_24 = arith.addi %scan3A_22, %scan3A_23 : i32
    %scan3A_25 = arith.constant 1 : i32
    scf.for %scan3A_114 = %scan3A_22 to %scan3A_24 step %scan3A_25  : i32 {
      %mul3A_115 = arith.constant 2 : i32
      %mul3A_116 = arith.muli %mul3A_115, %scan3A_114 : i32
      %dma_wait3A_117 = arith.constant 0 : i32
      %dma_wait3A_118 = tpu.memref_slice %arg5[%dma_wait3A_117] : memref<25600xi32, #tpu.memory_space<vmem>> -> memref<128xi32, #tpu.memory_space<vmem>>
      %dma_wait3A_119 = arith.constant 0 : i32
      %dma_wait3A_120 = arith.constant 0 : i32
      %dma_wait3A_121 = tpu.memref_slice %arg3[%dma_wait3A_119, %dma_wait3A_120] : memref<1000000x128xf32, #tpu.memory_space<hbm>> -> memref<1000000x128xf32, #tpu.memory_space<hbm>>
      tpu.wait_indirect_dma semaphore(%arg11 : memref<!tpu.dma_semaphore, #tpu.memory_space<semaphore_mem>>) src(%dma_wait3A_121 : memref<1000000x128xf32, #tpu.memory_space<hbm>>) dst(%arg6 : memref<128x128xf32, #tpu.memory_space<vmem>>)
      %dma_wait3A_122 = arith.constant 0 : i32
      %dma_wait3A_123 = tpu.memref_slice %arg5[%dma_wait3A_122] : memref<25600xi32, #tpu.memory_space<vmem>> -> memref<72xi32, #tpu.memory_space<vmem>>
      %dma_wait3A_124 = arith.constant 0 : i32
      %dma_wait3A_125 = arith.constant 0 : i32
      %dma_wait3A_126 = tpu.memref_slice %arg3[%dma_wait3A_124, %dma_wait3A_125] : memref<1000000x128xf32, #tpu.memory_space<hbm>> -> memref<1000000x128xf32, #tpu.memory_space<hbm>>
      tpu.wait_indirect_dma semaphore(%arg11 : memref<!tpu.dma_semaphore, #tpu.memory_space<semaphore_mem>>) src(%dma_wait3A_126 : memref<1000000x128xf32, #tpu.memory_space<hbm>>) dst(%arg7 : memref<72x128xf32, #tpu.memory_space<vmem>>)
      %broadcast_in_dim3A_127 = arith.constant 0.000000e+00 : f32
      %broadcast_in_dim3A_128 = vector.broadcast %broadcast_in_dim3A_127 : f32 to vector<16xf32>
      %scan3A_129 = arith.constant 0 : i32
      %scan3A_130 = arith.constant 128 : i32
      %scan3A_131 = arith.addi %scan3A_129, %scan3A_130 : i32
      %scan3A_132 = arith.constant 4 : i32
      %scan3A_133:4 = scf.for %scan3A_255 = %scan3A_129 to %scan3A_131 step %scan3A_132 iter_args(%scan3A_256 = %broadcast_in_dim3A_128, %scan3A_257 = %broadcast_in_dim3A_128, %scan3A_258 = %broadcast_in_dim3A_128, %scan3A_259 = %broadcast_in_dim3A_128) -> (vector<16xf32>, vector<16xf32>, vector<16xf32>, vector<16xf32>)  : i32 {
        %get3A = arith.index_cast %scan3A_255 : i32 to index
        %get3A_260 = arith.constant 0 : index
        %get3A_261 = tpu.vector_load %arg6[%get3A, %get3A_260] {strides = array<i32>} : memref<128x128xf32, #tpu.memory_space<vmem>>, vector<16xf32>,
        %add3A_262 = arith.addf %scan3A_256, %get3A_261 : vector<16xf32>
        %get3A_263 = arith.index_cast %scan3A_255 : i32 to index
        %get3A_264 = arith.constant 16 : index
        %get3A_265 = tpu.vector_load %arg6[%get3A_263, %get3A_264] {strides = array<i32>} : memref<128x128xf32, #tpu.memory_space<vmem>>, vector<16xf32>,
        %add3A_266 = arith.addf %scan3A_257, %get3A_265 : vector<16xf32>
        %get3A_267 = arith.index_cast %scan3A_255 : i32 to index
        %get3A_268 = arith.constant 32 : index
        %get3A_269 = tpu.vector_load %arg6[%get3A_267, %get3A_268] {strides = array<i32>} : memref<128x128xf32, #tpu.memory_space<vmem>>, vector<16xf32>,
        %add3A_270 = arith.addf %scan3A_258, %get3A_269 : vector<16xf32>
        %get3A_271 = arith.index_cast %scan3A_255 : i32 to index
        %get3A_272 = arith.constant 34 : index
        %get3A_273 = tpu.vector_load %arg6[%get3A_271, %get3A_272] {strides = array<i32>} : memref<128x128xf32, #tpu.memory_space<vmem>>, vector<16xf32>,
        %add3A_274 = arith.addf %scan3A_259, %get3A_273 : vector<16xf32>
        %scan3A_275 = arith.constant 1 : i32
        %scan3A_276 = arith.addi %scan3A_255, %scan3A_275 : i32
        %get3A_277 = arith.index_cast %scan3A_276 : i32 to index
        %get3A_278 = arith.constant 0 : index
        %get3A_279 = tpu.vector_load %arg6[%get3A_277, %get3A_278] {strides = array<i32>} : memref<128x128xf32, #tpu.memory_space<vmem>>, vector<16xf32>,
        %add3A_280 = arith.addf %add3A_262, %get3A_279 : vector<16xf32>
        %get3A_281 = arith.index_cast %scan3A_276 : i32 to index
        %get3A_282 = arith.constant 16 : index
        %get3A_283 = tpu.vector_load %arg6[%get3A_281, %get3A_282] {strides = array<i32>} : memref<128x128xf32, #tpu.memory_space<vmem>>, vector<16xf32>,
        %add3A_284 = arith.addf %add3A_266, %get3A_283 : vector<16xf32>
        %get3A_285 = arith.index_cast %scan3A_276 : i32 to index
        %get3A_286 = arith.constant 32 : index
        %get3A_287 = tpu.vector_load %arg6[%get3A_285, %get3A_286] {strides = array<i32>} : memref<128x128xf32, #tpu.memory_space<vmem>>, vector<16xf32>,
        %add3A_288 = arith.addf %add3A_270, %get3A_287 : vector<16xf32>
        %get3A_289 = arith.index_cast %scan3A_276 : i32 to index
        %get3A_290 = arith.constant 34 : index
        %get3A_291 = tpu.vector_load %arg6[%get3A_289, %get3A_290] {strides = array<i32>} : memref<128x128xf32, #tpu.memory_space<vmem>>, vector<16xf32>,
        %add3A_292 = arith.addf %add3A_274, %get3A_291 : vector<16xf32>
        %scan3A_293 = arith.constant 2 : i32
        %scan3A_294 = arith.addi %scan3A_255, %scan3A_293 : i32
        %get3A_295 = arith.index_cast %scan3A_294 : i32 to index
        %get3A_296 = arith.constant 0 : index
        %get3A_297 = tpu.vector_load %arg6[%get3A_295, %get3A_296] {strides = array<i32>} : memref<128x128xf32, #tpu.memory_space<vmem>>, vector<16xf32>,
        %add3A_298 = arith.addf %add3A_280, %get3A_297 : vector<16xf32>
        %get3A_299 = arith.index_cast %scan3A_294 : i32 to index
        %get3A_300 = arith.constant 16 : index
        %get3A_301 = tpu.vector_load %arg6[%get3A_299, %get3A_300] {strides = array<i32>} : memref<128x128xf32, #tpu.memory_space<vmem>>, vector<16xf32>,
        %add3A_302 = arith.addf %add3A_284, %get3A_301 : vector<16xf32>
        %get3A_303 = arith.index_cast %scan3A_294 : i32 to index
        %get3A_304 = arith.constant 32 : index
        %get3A_305 = tpu.vector_load %arg6[%get3A_303, %get3A_304] {strides = array<i32>} : memref<128x128xf32, #tpu.memory_space<vmem>>, vector<16xf32>,
        %add3A_306 = arith.addf %add3A_288, %get3A_305 : vector<16xf32>
        %get3A_307 = arith.index_cast %scan3A_294 : i32 to index
        %get3A_308 = arith.constant 34 : index
        %get3A_309 = tpu.vector_load %arg6[%get3A_307, %get3A_308] {strides = array<i32>} : memref<128x128xf32, #tpu.memory_space<vmem>>, vector<16xf32>,
        %add3A_310 = arith.addf %add3A_292, %get3A_309 : vector<16xf32>
        %scan3A_311 = arith.constant 3 : i32
        %scan3A_312 = arith.addi %scan3A_255, %scan3A_311 : i32
        %get3A_313 = arith.index_cast %scan3A_312 : i32 to index
        %get3A_314 = arith.constant 0 : index
        %get3A_315 = tpu.vector_load %arg6[%get3A_313, %get3A_314] {strides = array<i32>} : memref<128x128xf32, #tpu.memory_space<vmem>>, vector<16xf32>,
        %add3A_316 = arith.addf %add3A_298, %get3A_315 : vector<16xf32>
        %get3A_317 = arith.index_cast %scan3A_312 : i32 to index
        %get3A_318 = arith.constant 16 : index
        %get3A_319 = tpu.vector_load %arg6[%get3A_317, %get3A_318] {strides = array<i32>} : memref<128x128xf32, #tpu.memory_space<vmem>>, vector<16xf32>,
        %add3A_320 = arith.addf %add3A_302, %get3A_319 : vector<16xf32>
        %get3A_321 = arith.index_cast %scan3A_312 : i32 to index
        %get3A_322 = arith.constant 32 : index
        %get3A_323 = tpu.vector_load %arg6[%get3A_321, %get3A_322] {strides = array<i32>} : memref<128x128xf32, #tpu.memory_space<vmem>>, vector<16xf32>,
        %add3A_324 = arith.addf %add3A_306, %get3A_323 : vector<16xf32>
        %get3A_325 = arith.index_cast %scan3A_312 : i32 to index
        %get3A_326 = arith.constant 34 : index
        %get3A_327 = tpu.vector_load %arg6[%get3A_325, %get3A_326] {strides = array<i32>} : memref<128x128xf32, #tpu.memory_space<vmem>>, vector<16xf32>,
        %add3A_328 = arith.addf %add3A_310, %get3A_327 : vector<16xf32>
        scf.yield %add3A_316, %add3A_320, %add3A_324, %add3A_328 : vector<16xf32>, vector<16xf32>, vector<16xf32>, vector<16xf32>
      }
      %scan3A_134 = arith.constant 128 : i32
      %scan3A_135 = arith.constant 0 : i32
      %scan3A_136 = arith.constant 72 : i32
      %scan3A_137 = arith.addi %scan3A_135, %scan3A_136 : i32
      %scan3A_138 = arith.constant 4 : i32
      %scan3A_139:4 = scf.for %scan3A_255 = %scan3A_135 to %scan3A_137 step %scan3A_138 iter_args(%scan3A_256 = %scan3A_133#0, %scan3A_257 = %scan3A_133#1, %scan3A_258 = %scan3A_133#2, %scan3A_259 = %scan3A_133#3) -> (vector<16xf32>, vector<16xf32>, vector<16xf32>, vector<16xf32>)  : i32 {
        %get3A = arith.index_cast %scan3A_255 : i32 to index
        %get3A_260 = arith.constant 0 : index
        %get3A_261 = tpu.vector_load %arg7[%get3A, %get3A_260] {strides = array<i32>} : memref<72x128xf32, #tpu.memory_space<vmem>>, vector<16xf32>,
        %add3A_262 = arith.addf %scan3A_256, %get3A_261 : vector<16xf32>
        %get3A_263 = arith.index_cast %scan3A_255 : i32 to index
        %get3A_264 = arith.constant 16 : index
        %get3A_265 = tpu.vector_load %arg7[%get3A_263, %get3A_264] {strides = array<i32>} : memref<72x128xf32, #tpu.memory_space<vmem>>, vector<16xf32>,
        %add3A_266 = arith.addf %scan3A_257, %get3A_265 : vector<16xf32>
        %get3A_267 = arith.index_cast %scan3A_255 : i32 to index
        %get3A_268 = arith.constant 32 : index
        %get3A_269 = tpu.vector_load %arg7[%get3A_267, %get3A_268] {strides = array<i32>} : memref<72x128xf32, #tpu.memory_space<vmem>>, vector<16xf32>,
        %add3A_270 = arith.addf %scan3A_258, %get3A_269 : vector<16xf32>
        %get3A_271 = arith.index_cast %scan3A_255 : i32 to index
        %get3A_272 = arith.constant 34 : index
        %get3A_273 = tpu.vector_load %arg7[%get3A_271, %get3A_272] {strides = array<i32>} : memref<72x128xf32, #tpu.memory_space<vmem>>, vector<16xf32>,
        %add3A_274 = arith.addf %scan3A_259, %get3A_273 : vector<16xf32>
        %scan3A_275 = arith.constant 1 : i32
        %scan3A_276 = arith.addi %scan3A_255, %scan3A_275 : i32
        %get3A_277 = arith.index_cast %scan3A_276 : i32 to index
        %get3A_278 = arith.constant 0 : index
        %get3A_279 = tpu.vector_load %arg7[%get3A_277, %get3A_278] {strides = array<i32>} : memref<72x128xf32, #tpu.memory_space<vmem>>, vector<16xf32>,
        %add3A_280 = arith.addf %add3A_262, %get3A_279 : vector<16xf32>
        %get3A_281 = arith.index_cast %scan3A_276 : i32 to index
        %get3A_282 = arith.constant 16 : index
        %get3A_283 = tpu.vector_load %arg7[%get3A_281, %get3A_282] {strides = array<i32>} : memref<72x128xf32, #tpu.memory_space<vmem>>, vector<16xf32>,
        %add3A_284 = arith.addf %add3A_266, %get3A_283 : vector<16xf32>
        %get3A_285 = arith.index_cast %scan3A_276 : i32 to index
        %get3A_286 = arith.constant 32 : index
        %get3A_287 = tpu.vector_load %arg7[%get3A_285, %get3A_286] {strides = array<i32>} : memref<72x128xf32, #tpu.memory_space<vmem>>, vector<16xf32>,
        %add3A_288 = arith.addf %add3A_270, %get3A_287 : vector<16xf32>
        %get3A_289 = arith.index_cast %scan3A_276 : i32 to index
        %get3A_290 = arith.constant 34 : index
        %get3A_291 = tpu.vector_load %arg7[%get3A_289, %get3A_290] {strides = array<i32>} : memref<72x128xf32, #tpu.memory_space<vmem>>, vector<16xf32>,
        %add3A_292 = arith.addf %add3A_274, %get3A_291 : vector<16xf32>
        %scan3A_293 = arith.constant 2 : i32
        %scan3A_294 = arith.addi %scan3A_255, %scan3A_293 : i32
        %get3A_295 = arith.index_cast %scan3A_294 : i32 to index
        %get3A_296 = arith.constant 0 : index
        %get3A_297 = tpu.vector_load %arg7[%get3A_295, %get3A_296] {strides = array<i32>} : memref<72x128xf32, #tpu.memory_space<vmem>>, vector<16xf32>,
        %add3A_298 = arith.addf %add3A_280, %get3A_297 : vector<16xf32>
        %get3A_299 = arith.index_cast %scan3A_294 : i32 to index
        %get3A_300 = arith.constant 16 : index
        %get3A_301 = tpu.vector_load %arg7[%get3A_299, %get3A_300] {strides = array<i32>} : memref<72x128xf32, #tpu.memory_space<vmem>>, vector<16xf32>,
        %add3A_302 = arith.addf %add3A_284, %get3A_301 : vector<16xf32>
        %get3A_303 = arith.index_cast %scan3A_294 : i32 to index
        %get3A_304 = arith.constant 32 : index
        %get3A_305 = tpu.vector_load %arg7[%get3A_303, %get3A_304] {strides = array<i32>} : memref<72x128xf32, #tpu.memory_space<vmem>>, vector<16xf32>,
        %add3A_306 = arith.addf %add3A_288, %get3A_305 : vector<16xf32>
        %get3A_307 = arith.index_cast %scan3A_294 : i32 to index
        %get3A_308 = arith.constant 34 : index
        %get3A_309 = tpu.vector_load %arg7[%get3A_307, %get3A_308] {strides = array<i32>} : memref<72x128xf32, #tpu.memory_space<vmem>>, vector<16xf32>,
        %add3A_310 = arith.addf %add3A_292, %get3A_309 : vector<16xf32>
        %scan3A_311 = arith.constant 3 : i32
        %scan3A_312 = arith.addi %scan3A_255, %scan3A_311 : i32
        %get3A_313 = arith.index_cast %scan3A_312 : i32 to index
        %get3A_314 = arith.constant 0 : index
        %get3A_315 = tpu.vector_load %arg7[%get3A_313, %get3A_314] {strides = array<i32>} : memref<72x128xf32, #tpu.memory_space<vmem>>, vector<16xf32>,
        %add3A_316 = arith.addf %add3A_298, %get3A_315 : vector<16xf32>
        %get3A_317 = arith.index_cast %scan3A_312 : i32 to index
        %get3A_318 = arith.constant 16 : index
        %get3A_319 = tpu.vector_load %arg7[%get3A_317, %get3A_318] {strides = array<i32>} : memref<72x128xf32, #tpu.memory_space<vmem>>, vector<16xf32>,
        %add3A_320 = arith.addf %add3A_302, %get3A_319 : vector<16xf32>
        %get3A_321 = arith.index_cast %scan3A_312 : i32 to index
        %get3A_322 = arith.constant 32 : index
        %get3A_323 = tpu.vector_load %arg7[%get3A_321, %get3A_322] {strides = array<i32>} : memref<72x128xf32, #tpu.memory_space<vmem>>, vector<16xf32>,
        %add3A_324 = arith.addf %add3A_306, %get3A_323 : vector<16xf32>
        %get3A_325 = arith.index_cast %scan3A_312 : i32 to index
        %get3A_326 = arith.constant 34 : index
        %get3A_327 = tpu.vector_load %arg7[%get3A_325, %get3A_326] {strides = array<i32>} : memref<72x128xf32, #tpu.memory_space<vmem>>, vector<16xf32>,
        %add3A_328 = arith.addf %add3A_310, %get3A_327 : vector<16xf32>
        scf.yield %add3A_316, %add3A_320, %add3A_324, %add3A_328 : vector<16xf32>, vector<16xf32>, vector<16xf32>, vector<16xf32>
      }
      %scan3A_140 = arith.constant 72 : i32
      %mul3A_141 = arith.constant 50 : i32
      %mul3A_142 = arith.muli %mul3A_116, %mul3A_141 : i32
      %mul3A_143 = arith.constant 5.000000e-03 : f32
      %mul3A_144 = vector.broadcast %mul3A_143 : f32 to vector<16xf32>
      %mul3A_145 = arith.mulf %scan3A_139#0, %mul3A_144 : vector<16xf32>
      %swap3A_146 = arith.index_cast %mul3A_142 : i32 to index
      %swap3A_147 = tpu.vector_load %arg10[%swap3A_146] {strides = array<i32>} : memref<6400xf32, #tpu.memory_space<vmem>>, vector<16xf32>,
      tpu.vector_store %arg10[%swap3A_146], %mul3A_145 {strides = array<i32>} : memref<6400xf32, #tpu.memory_space<vmem>>, vector<16xf32>,
      %mul3A_148 = arith.constant 5.000000e-03 : f32
      %mul3A_149 = vector.broadcast %mul3A_148 : f32 to vector<16xf32>
      %mul3A_150 = arith.mulf %scan3A_139#1, %mul3A_149 : vector<16xf32>
      %add3A_151 = arith.constant 16 : i32
      %add3A_152 = arith.addi %mul3A_142, %add3A_151 : i32
      %swap3A_153 = arith.index_cast %add3A_152 : i32 to index
      %swap3A_154 = tpu.vector_load %arg10[%swap3A_153] {strides = array<i32>} : memref<6400xf32, #tpu.memory_space<vmem>>, vector<16xf32>,
      tpu.vector_store %arg10[%swap3A_153], %mul3A_150 {strides = array<i32>} : memref<6400xf32, #tpu.memory_space<vmem>>, vector<16xf32>,
      %mul3A_155 = arith.constant 5.000000e-03 : f32
      %mul3A_156 = vector.broadcast %mul3A_155 : f32 to vector<16xf32>
      %mul3A_157 = arith.mulf %scan3A_139#2, %mul3A_156 : vector<16xf32>
      %add3A_158 = arith.constant 32 : i32
      %add3A_159 = arith.addi %mul3A_142, %add3A_158 : i32
      %swap3A_160 = arith.index_cast %add3A_159 : i32 to index
      %swap3A_161 = tpu.vector_load %arg10[%swap3A_160] {strides = array<i32>} : memref<6400xf32, #tpu.memory_space<vmem>>, vector<16xf32>,
      tpu.vector_store %arg10[%swap3A_160], %mul3A_157 {strides = array<i32>} : memref<6400xf32, #tpu.memory_space<vmem>>, vector<16xf32>,
      %mul3A_162 = arith.constant 5.000000e-03 : f32
      %mul3A_163 = vector.broadcast %mul3A_162 : f32 to vector<16xf32>
      %mul3A_164 = arith.mulf %scan3A_139#3, %mul3A_163 : vector<16xf32>
      %add3A_165 = arith.constant 34 : i32
      %add3A_166 = arith.addi %mul3A_142, %add3A_165 : i32
      %swap3A_167 = arith.index_cast %add3A_166 : i32 to index
      %swap3A_168 = tpu.vector_load %arg10[%swap3A_167] {strides = array<i32>} : memref<6400xf32, #tpu.memory_space<vmem>>, vector<16xf32>,
      tpu.vector_store %arg10[%swap3A_167], %mul3A_164 {strides = array<i32>} : memref<6400xf32, #tpu.memory_space<vmem>>, vector<16xf32>,
      %add3A_169 = arith.constant 2 : i32
      %add3A_170 = arith.addi %mul3A_116, %add3A_169 : i32
      %mul3A_171 = arith.constant 200 : i32
      %mul3A_172 = arith.muli %add3A_170, %mul3A_171 : i32
      %dma_start3A_173 = tpu.memref_slice %arg5[%mul3A_172] : memref<25600xi32, #tpu.memory_space<vmem>> -> memref<128xi32, #tpu.memory_space<vmem>>
      %dma_start3A_174 = arith.constant 0 : i32
      %dma_start3A_175 = arith.constant 0 : i32
      %dma_start3A_176 = tpu.memref_slice %arg3[%dma_start3A_174, %dma_start3A_175] : memref<1000000x128xf32, #tpu.memory_space<hbm>> -> memref<1000000x128xf32, #tpu.memory_space<hbm>>
      tpu.enqueue_indirect_dma source(%dma_start3A_176 : memref<1000000x128xf32, #tpu.memory_space<hbm>>) target(%arg6 : memref<128x128xf32, #tpu.memory_space<vmem>>) offsets(%dma_start3A_173 : memref<128xi32, #tpu.memory_space<vmem>>) semaphore(%arg11 : memref<!tpu.dma_semaphore, #tpu.memory_space<semaphore_mem>>)
      %mul3A_177 = arith.constant 200 : i32
      %mul3A_178 = arith.muli %add3A_170, %mul3A_177 : i32
      %add3A_179 = arith.constant 128 : i32
      %add3A_180 = arith.addi %mul3A_178, %add3A_179 : i32
      %dma_start3A_181 = tpu.memref_slice %arg5[%add3A_180] : memref<25600xi32, #tpu.memory_space<vmem>> -> memref<72xi32, #tpu.memory_space<vmem>>
      %dma_start3A_182 = arith.constant 0 : i32
      %dma_start3A_183 = arith.constant 0 : i32
      %dma_start3A_184 = tpu.memref_slice %arg3[%dma_start3A_182, %dma_start3A_183] : memref<1000000x128xf32, #tpu.memory_space<hbm>> -> memref<1000000x128xf32, #tpu.memory_space<hbm>>
      tpu.enqueue_indirect_dma source(%dma_start3A_184 : memref<1000000x128xf32, #tpu.memory_space<hbm>>) target(%arg7 : memref<72x128xf32, #tpu.memory_space<vmem>>) offsets(%dma_start3A_181 : memref<72xi32, #tpu.memory_space<vmem>>) semaphore(%arg11 : memref<!tpu.dma_semaphore, #tpu.memory_space<semaphore_mem>>)
      %dma_wait3A_185 = arith.constant 0 : i32
      %dma_wait3A_186 = tpu.memref_slice %arg5[%dma_wait3A_185] : memref<25600xi32, #tpu.memory_space<vmem>> -> memref<128xi32, #tpu.memory_space<vmem>>
      %dma_wait3A_187 = arith.constant 0 : i32
      %dma_wait3A_188 = arith.constant 0 : i32
      %dma_wait3A_189 = tpu.memref_slice %arg3[%dma_wait3A_187, %dma_wait3A_188] : memref<1000000x128xf32, #tpu.memory_space<hbm>> -> memref<1000000x128xf32, #tpu.memory_space<hbm>>
      tpu.wait_indirect_dma semaphore(%arg12 : memref<!tpu.dma_semaphore, #tpu.memory_space<semaphore_mem>>) src(%dma_wait3A_189 : memref<1000000x128xf32, #tpu.memory_space<hbm>>) dst(%arg8 : memref<128x128xf32, #tpu.memory_space<vmem>>)
      %dma_wait3A_190 = arith.constant 0 : i32
      %dma_wait3A_191 = tpu.memref_slice %arg5[%dma_wait3A_190] : memref<25600xi32, #tpu.memory_space<vmem>> -> memref<72xi32, #tpu.memory_space<vmem>>
      %dma_wait3A_192 = arith.constant 0 : i32
      %dma_wait3A_193 = arith.constant 0 : i32
      %dma_wait3A_194 = tpu.memref_slice %arg3[%dma_wait3A_192, %dma_wait3A_193] : memref<1000000x128xf32, #tpu.memory_space<hbm>> -> memref<1000000x128xf32, #tpu.memory_space<hbm>>
      tpu.wait_indirect_dma semaphore(%arg12 : memref<!tpu.dma_semaphore, #tpu.memory_space<semaphore_mem>>) src(%dma_wait3A_194 : memref<1000000x128xf32, #tpu.memory_space<hbm>>) dst(%arg9 : memref<72x128xf32, #tpu.memory_space<vmem>>)
      %add3A_195 = arith.constant 1 : i32
      %add3A_196 = arith.addi %mul3A_116, %add3A_195 : i32
      %broadcast_in_dim3A_197 = arith.constant 0.000000e+00 : f32
      %broadcast_in_dim3A_198 = vector.broadcast %broadcast_in_dim3A_197 : f32 to vector<16xf32>
      %scan3A_199 = arith.constant 0 : i32
      %scan3A_200 = arith.constant 128 : i32
      %scan3A_201 = arith.addi %scan3A_199, %scan3A_200 : i32
      %scan3A_202 = arith.constant 4 : i32
      %scan3A_203:4 = scf.for %scan3A_255 = %scan3A_199 to %scan3A_201 step %scan3A_202 iter_args(%scan3A_256 = %broadcast_in_dim3A_198, %scan3A_257 = %broadcast_in_dim3A_198, %scan3A_258 = %broadcast_in_dim3A_198, %scan3A_259 = %broadcast_in_dim3A_198) -> (vector<16xf32>, vector<16xf32>, vector<16xf32>, vector<16xf32>)  : i32 {
        %get3A = arith.index_cast %scan3A_255 : i32 to index
        %get3A_260 = arith.constant 0 : index
        %get3A_261 = tpu.vector_load %arg8[%get3A, %get3A_260] {strides = array<i32>} : memref<128x128xf32, #tpu.memory_space<vmem>>, vector<16xf32>,
        %add3A_262 = arith.addf %scan3A_256, %get3A_261 : vector<16xf32>
        %get3A_263 = arith.index_cast %scan3A_255 : i32 to index
        %get3A_264 = arith.constant 16 : index
        %get3A_265 = tpu.vector_load %arg8[%get3A_263, %get3A_264] {strides = array<i32>} : memref<128x128xf32, #tpu.memory_space<vmem>>, vector<16xf32>,
        %add3A_266 = arith.addf %scan3A_257, %get3A_265 : vector<16xf32>
        %get3A_267 = arith.index_cast %scan3A_255 : i32 to index
        %get3A_268 = arith.constant 32 : index
        %get3A_269 = tpu.vector_load %arg8[%get3A_267, %get3A_268] {strides = array<i32>} : memref<128x128xf32, #tpu.memory_space<vmem>>, vector<16xf32>,
        %add3A_270 = arith.addf %scan3A_258, %get3A_269 : vector<16xf32>
        %get3A_271 = arith.index_cast %scan3A_255 : i32 to index
        %get3A_272 = arith.constant 34 : index
        %get3A_273 = tpu.vector_load %arg8[%get3A_271, %get3A_272] {strides = array<i32>} : memref<128x128xf32, #tpu.memory_space<vmem>>, vector<16xf32>,
        %add3A_274 = arith.addf %scan3A_259, %get3A_273 : vector<16xf32>
        %scan3A_275 = arith.constant 1 : i32
        %scan3A_276 = arith.addi %scan3A_255, %scan3A_275 : i32
        %get3A_277 = arith.index_cast %scan3A_276 : i32 to index
        %get3A_278 = arith.constant 0 : index
        %get3A_279 = tpu.vector_load %arg8[%get3A_277, %get3A_278] {strides = array<i32>} : memref<128x128xf32, #tpu.memory_space<vmem>>, vector<16xf32>,
        %add3A_280 = arith.addf %add3A_262, %get3A_279 : vector<16xf32>
        %get3A_281 = arith.index_cast %scan3A_276 : i32 to index
        %get3A_282 = arith.constant 16 : index
        %get3A_283 = tpu.vector_load %arg8[%get3A_281, %get3A_282] {strides = array<i32>} : memref<128x128xf32, #tpu.memory_space<vmem>>, vector<16xf32>,
        %add3A_284 = arith.addf %add3A_266, %get3A_283 : vector<16xf32>
        %get3A_285 = arith.index_cast %scan3A_276 : i32 to index
        %get3A_286 = arith.constant 32 : index
        %get3A_287 = tpu.vector_load %arg8[%get3A_285, %get3A_286] {strides = array<i32>} : memref<128x128xf32, #tpu.memory_space<vmem>>, vector<16xf32>,
        %add3A_288 = arith.addf %add3A_270, %get3A_287 : vector<16xf32>
        %get3A_289 = arith.index_cast %scan3A_276 : i32 to index
        %get3A_290 = arith.constant 34 : index
        %get3A_291 = tpu.vector_load %arg8[%get3A_289, %get3A_290] {strides = array<i32>} : memref<128x128xf32, #tpu.memory_space<vmem>>, vector<16xf32>,
        %add3A_292 = arith.addf %add3A_274, %get3A_291 : vector<16xf32>
        %scan3A_293 = arith.constant 2 : i32
        %scan3A_294 = arith.addi %scan3A_255, %scan3A_293 : i32
        %get3A_295 = arith.index_cast %scan3A_294 : i32 to index
        %get3A_296 = arith.constant 0 : index
        %get3A_297 = tpu.vector_load %arg8[%get3A_295, %get3A_296] {strides = array<i32>} : memref<128x128xf32, #tpu.memory_space<vmem>>, vector<16xf32>,
        %add3A_298 = arith.addf %add3A_280, %get3A_297 : vector<16xf32>
        %get3A_299 = arith.index_cast %scan3A_294 : i32 to index
        %get3A_300 = arith.constant 16 : index
        %get3A_301 = tpu.vector_load %arg8[%get3A_299, %get3A_300] {strides = array<i32>} : memref<128x128xf32, #tpu.memory_space<vmem>>, vector<16xf32>,
        %add3A_302 = arith.addf %add3A_284, %get3A_301 : vector<16xf32>
        %get3A_303 = arith.index_cast %scan3A_294 : i32 to index
        %get3A_304 = arith.constant 32 : index
        %get3A_305 = tpu.vector_load %arg8[%get3A_303, %get3A_304] {strides = array<i32>} : memref<128x128xf32, #tpu.memory_space<vmem>>, vector<16xf32>,
        %add3A_306 = arith.addf %add3A_288, %get3A_305 : vector<16xf32>
        %get3A_307 = arith.index_cast %scan3A_294 : i32 to index
        %get3A_308 = arith.constant 34 : index
        %get3A_309 = tpu.vector_load %arg8[%get3A_307, %get3A_308] {strides = array<i32>} : memref<128x128xf32, #tpu.memory_space<vmem>>, vector<16xf32>,
        %add3A_310 = arith.addf %add3A_292, %get3A_309 : vector<16xf32>
        %scan3A_311 = arith.constant 3 : i32
        %scan3A_312 = arith.addi %scan3A_255, %scan3A_311 : i32
        %get3A_313 = arith.index_cast %scan3A_312 : i32 to index
        %get3A_314 = arith.constant 0 : index
        %get3A_315 = tpu.vector_load %arg8[%get3A_313, %get3A_314] {strides = array<i32>} : memref<128x128xf32, #tpu.memory_space<vmem>>, vector<16xf32>,
        %add3A_316 = arith.addf %add3A_298, %get3A_315 : vector<16xf32>
        %get3A_317 = arith.index_cast %scan3A_312 : i32 to index
        %get3A_318 = arith.constant 16 : index
        %get3A_319 = tpu.vector_load %arg8[%get3A_317, %get3A_318] {strides = array<i32>} : memref<128x128xf32, #tpu.memory_space<vmem>>, vector<16xf32>,
        %add3A_320 = arith.addf %add3A_302, %get3A_319 : vector<16xf32>
        %get3A_321 = arith.index_cast %scan3A_312 : i32 to index
        %get3A_322 = arith.constant 32 : index
        %get3A_323 = tpu.vector_load %arg8[%get3A_321, %get3A_322] {strides = array<i32>} : memref<128x128xf32, #tpu.memory_space<vmem>>, vector<16xf32>,
        %add3A_324 = arith.addf %add3A_306, %get3A_323 : vector<16xf32>
        %get3A_325 = arith.index_cast %scan3A_312 : i32 to index
        %get3A_326 = arith.constant 34 : index
        %get3A_327 = tpu.vector_load %arg8[%get3A_325, %get3A_326] {strides = array<i32>} : memref<128x128xf32, #tpu.memory_space<vmem>>, vector<16xf32>,
        %add3A_328 = arith.addf %add3A_310, %get3A_327 : vector<16xf32>
        scf.yield %add3A_316, %add3A_320, %add3A_324, %add3A_328 : vector<16xf32>, vector<16xf32>, vector<16xf32>, vector<16xf32>
      }
      %scan3A_204 = arith.constant 128 : i32
      %scan3A_205 = arith.constant 0 : i32
      %scan3A_206 = arith.constant 72 : i32
      %scan3A_207 = arith.addi %scan3A_205, %scan3A_206 : i32
      %scan3A_208 = arith.constant 4 : i32
      %scan3A_209:4 = scf.for %scan3A_255 = %scan3A_205 to %scan3A_207 step %scan3A_208 iter_args(%scan3A_256 = %scan3A_203#0, %scan3A_257 = %scan3A_203#1, %scan3A_258 = %scan3A_203#2, %scan3A_259 = %scan3A_203#3) -> (vector<16xf32>, vector<16xf32>, vector<16xf32>, vector<16xf32>)  : i32 {
        %get3A = arith.index_cast %scan3A_255 : i32 to index
        %get3A_260 = arith.constant 0 : index
        %get3A_261 = tpu.vector_load %arg9[%get3A, %get3A_260] {strides = array<i32>} : memref<72x128xf32, #tpu.memory_space<vmem>>, vector<16xf32>,
        %add3A_262 = arith.addf %scan3A_256, %get3A_261 : vector<16xf32>
        %get3A_263 = arith.index_cast %scan3A_255 : i32 to index
        %get3A_264 = arith.constant 16 : index
        %get3A_265 = tpu.vector_load %arg9[%get3A_263, %get3A_264] {strides = array<i32>} : memref<72x128xf32, #tpu.memory_space<vmem>>, vector<16xf32>,
        %add3A_266 = arith.addf %scan3A_257, %get3A_265 : vector<16xf32>
        %get3A_267 = arith.index_cast %scan3A_255 : i32 to index
        %get3A_268 = arith.constant 32 : index
        %get3A_269 = tpu.vector_load %arg9[%get3A_267, %get3A_268] {strides = array<i32>} : memref<72x128xf32, #tpu.memory_space<vmem>>, vector<16xf32>,
        %add3A_270 = arith.addf %scan3A_258, %get3A_269 : vector<16xf32>
        %get3A_271 = arith.index_cast %scan3A_255 : i32 to index
        %get3A_272 = arith.constant 34 : index
        %get3A_273 = tpu.vector_load %arg9[%get3A_271, %get3A_272] {strides = array<i32>} : memref<72x128xf32, #tpu.memory_space<vmem>>, vector<16xf32>,
        %add3A_274 = arith.addf %scan3A_259, %get3A_273 : vector<16xf32>
        %scan3A_275 = arith.constant 1 : i32
        %scan3A_276 = arith.addi %scan3A_255, %scan3A_275 : i32
        %get3A_277 = arith.index_cast %scan3A_276 : i32 to index
        %get3A_278 = arith.constant 0 : index
        %get3A_279 = tpu.vector_load %arg9[%get3A_277, %get3A_278] {strides = array<i32>} : memref<72x128xf32, #tpu.memory_space<vmem>>, vector<16xf32>,
        %add3A_280 = arith.addf %add3A_262, %get3A_279 : vector<16xf32>
        %get3A_281 = arith.index_cast %scan3A_276 : i32 to index
        %get3A_282 = arith.constant 16 : index
        %get3A_283 = tpu.vector_load %arg9[%get3A_281, %get3A_282] {strides = array<i32>} : memref<72x128xf32, #tpu.memory_space<vmem>>, vector<16xf32>,
        %add3A_284 = arith.addf %add3A_266, %get3A_283 : vector<16xf32>
        %get3A_285 = arith.index_cast %scan3A_276 : i32 to index
        %get3A_286 = arith.constant 32 : index
        %get3A_287 = tpu.vector_load %arg9[%get3A_285, %get3A_286] {strides = array<i32>} : memref<72x128xf32, #tpu.memory_space<vmem>>, vector<16xf32>,
        %add3A_288 = arith.addf %add3A_270, %get3A_287 : vector<16xf32>
        %get3A_289 = arith.index_cast %scan3A_276 : i32 to index
        %get3A_290 = arith.constant 34 : index
        %get3A_291 = tpu.vector_load %arg9[%get3A_289, %get3A_290] {strides = array<i32>} : memref<72x128xf32, #tpu.memory_space<vmem>>, vector<16xf32>,
        %add3A_292 = arith.addf %add3A_274, %get3A_291 : vector<16xf32>
        %scan3A_293 = arith.constant 2 : i32
        %scan3A_294 = arith.addi %scan3A_255, %scan3A_293 : i32
        %get3A_295 = arith.index_cast %scan3A_294 : i32 to index
        %get3A_296 = arith.constant 0 : index
        %get3A_297 = tpu.vector_load %arg9[%get3A_295, %get3A_296] {strides = array<i32>} : memref<72x128xf32, #tpu.memory_space<vmem>>, vector<16xf32>,
        %add3A_298 = arith.addf %add3A_280, %get3A_297 : vector<16xf32>
        %get3A_299 = arith.index_cast %scan3A_294 : i32 to index
        %get3A_300 = arith.constant 16 : index
        %get3A_301 = tpu.vector_load %arg9[%get3A_299, %get3A_300] {strides = array<i32>} : memref<72x128xf32, #tpu.memory_space<vmem>>, vector<16xf32>,
        %add3A_302 = arith.addf %add3A_284, %get3A_301 : vector<16xf32>
        %get3A_303 = arith.index_cast %scan3A_294 : i32 to index
        %get3A_304 = arith.constant 32 : index
        %get3A_305 = tpu.vector_load %arg9[%get3A_303, %get3A_304] {strides = array<i32>} : memref<72x128xf32, #tpu.memory_space<vmem>>, vector<16xf32>,
        %add3A_306 = arith.addf %add3A_288, %get3A_305 : vector<16xf32>
        %get3A_307 = arith.index_cast %scan3A_294 : i32 to index
        %get3A_308 = arith.constant 34 : index
        %get3A_309 = tpu.vector_load %arg9[%get3A_307, %get3A_308] {strides = array<i32>} : memref<72x128xf32, #tpu.memory_space<vmem>>, vector<16xf32>,
        %add3A_310 = arith.addf %add3A_292, %get3A_309 : vector<16xf32>
        %scan3A_311 = arith.constant 3 : i32
        %scan3A_312 = arith.addi %scan3A_255, %scan3A_311 : i32
        %get3A_313 = arith.index_cast %scan3A_312 : i32 to index
        %get3A_314 = arith.constant 0 : index
        %get3A_315 = tpu.vector_load %arg9[%get3A_313, %get3A_314] {strides = array<i32>} : memref<72x128xf32, #tpu.memory_space<vmem>>, vector<16xf32>,
        %add3A_316 = arith.addf %add3A_298, %get3A_315 : vector<16xf32>
        %get3A_317 = arith.index_cast %scan3A_312 : i32 to index
        %get3A_318 = arith.constant 16 : index
        %get3A_319 = tpu.vector_load %arg9[%get3A_317, %get3A_318] {strides = array<i32>} : memref<72x128xf32, #tpu.memory_space<vmem>>, vector<16xf32>,
        %add3A_320 = arith.addf %add3A_302, %get3A_319 : vector<16xf32>
        %get3A_321 = arith.index_cast %scan3A_312 : i32 to index
        %get3A_322 = arith.constant 32 : index
        %get3A_323 = tpu.vector_load %arg9[%get3A_321, %get3A_322] {strides = array<i32>} : memref<72x128xf32, #tpu.memory_space<vmem>>, vector<16xf32>,
        %add3A_324 = arith.addf %add3A_306, %get3A_323 : vector<16xf32>
        %get3A_325 = arith.index_cast %scan3A_312 : i32 to index
        %get3A_326 = arith.constant 34 : index
        %get3A_327 = tpu.vector_load %arg9[%get3A_325, %get3A_326] {strides = array<i32>} : memref<72x128xf32, #tpu.memory_space<vmem>>, vector<16xf32>,
        %add3A_328 = arith.addf %add3A_310, %get3A_327 : vector<16xf32>
        scf.yield %add3A_316, %add3A_320, %add3A_324, %add3A_328 : vector<16xf32>, vector<16xf32>, vector<16xf32>, vector<16xf32>
      }
      %scan3A_210 = arith.constant 72 : i32
      %mul3A_211 = arith.constant 50 : i32
      %mul3A_212 = arith.muli %add3A_196, %mul3A_211 : i32
      %mul3A_213 = arith.constant 5.000000e-03 : f32
      %mul3A_214 = vector.broadcast %mul3A_213 : f32 to vector<16xf32>
      %mul3A_215 = arith.mulf %scan3A_209#0, %mul3A_214 : vector<16xf32>
      %swap3A_216 = arith.index_cast %mul3A_212 : i32 to index
      %swap3A_217 = tpu.vector_load %arg10[%swap3A_216] {strides = array<i32>} : memref<6400xf32, #tpu.memory_space<vmem>>, vector<16xf32>,
      tpu.vector_store %arg10[%swap3A_216], %mul3A_215 {strides = array<i32>} : memref<6400xf32, #tpu.memory_space<vmem>>, vector<16xf32>,
      %mul3A_218 = arith.constant 5.000000e-03 : f32
      %mul3A_219 = vector.broadcast %mul3A_218 : f32 to vector<16xf32>
      %mul3A_220 = arith.mulf %scan3A_209#1, %mul3A_219 : vector<16xf32>
      %add3A_221 = arith.constant 16 : i32
      %add3A_222 = arith.addi %mul3A_212, %add3A_221 : i32
      %swap3A_223 = arith.index_cast %add3A_222 : i32 to index
      %swap3A_224 = tpu.vector_load %arg10[%swap3A_223] {strides = array<i32>} : memref<6400xf32, #tpu.memory_space<vmem>>, vector<16xf32>,
      tpu.vector_store %arg10[%swap3A_223], %mul3A_220 {strides = array<i32>} : memref<6400xf32, #tpu.memory_space<vmem>>, vector<16xf32>,
      %mul3A_225 = arith.constant 5.000000e-03 : f32
      %mul3A_226 = vector.broadcast %mul3A_225 : f32 to vector<16xf32>
      %mul3A_227 = arith.mulf %scan3A_209#2, %mul3A_226 : vector<16xf32>
      %add3A_228 = arith.constant 32 : i32
      %add3A_229 = arith.addi %mul3A_212, %add3A_228 : i32
      %swap3A_230 = arith.index_cast %add3A_229 : i32 to index
      %swap3A_231 = tpu.vector_load %arg10[%swap3A_230] {strides = array<i32>} : memref<6400xf32, #tpu.memory_space<vmem>>, vector<16xf32>,
      tpu.vector_store %arg10[%swap3A_230], %mul3A_227 {strides = array<i32>} : memref<6400xf32, #tpu.memory_space<vmem>>, vector<16xf32>,
      %mul3A_232 = arith.constant 5.000000e-03 : f32
      %mul3A_233 = vector.broadcast %mul3A_232 : f32 to vector<16xf32>
      %mul3A_234 = arith.mulf %scan3A_209#3, %mul3A_233 : vector<16xf32>
      %add3A_235 = arith.constant 34 : i32
      %add3A_236 = arith.addi %mul3A_212, %add3A_235 : i32
      %swap3A_237 = arith.index_cast %add3A_236 : i32 to index
      %swap3A_238 = tpu.vector_load %arg10[%swap3A_237] {strides = array<i32>} : memref<6400xf32, #tpu.memory_space<vmem>>, vector<16xf32>,
      tpu.vector_store %arg10[%swap3A_237], %mul3A_234 {strides = array<i32>} : memref<6400xf32, #tpu.memory_space<vmem>>, vector<16xf32>,
      %add3A_239 = arith.constant 3 : i32
      %add3A_240 = arith.addi %mul3A_116, %add3A_239 : i32
      %mul3A_241 = arith.constant 200 : i32
      %mul3A_242 = arith.muli %add3A_240, %mul3A_241 : i32
      %dma_start3A_243 = tpu.memref_slice %arg5[%mul3A_242] : memref<25600xi32, #tpu.memory_space<vmem>> -> memref<128xi32, #tpu.memory_space<vmem>>
      %dma_start3A_244 = arith.constant 0 : i32
      %dma_start3A_245 = arith.constant 0 : i32
      %dma_start3A_246 = tpu.memref_slice %arg3[%dma_start3A_244, %dma_start3A_245] : memref<1000000x128xf32, #tpu.memory_space<hbm>> -> memref<1000000x128xf32, #tpu.memory_space<hbm>>
      tpu.enqueue_indirect_dma source(%dma_start3A_246 : memref<1000000x128xf32, #tpu.memory_space<hbm>>) target(%arg8 : memref<128x128xf32, #tpu.memory_space<vmem>>) offsets(%dma_start3A_243 : memref<128xi32, #tpu.memory_space<vmem>>) semaphore(%arg12 : memref<!tpu.dma_semaphore, #tpu.memory_space<semaphore_mem>>)
      %mul3A_247 = arith.constant 200 : i32
      %mul3A_248 = arith.muli %add3A_240, %mul3A_247 : i32
      %add3A_249 = arith.constant 128 : i32
      %add3A_250 = arith.addi %mul3A_248, %add3A_249 : i32
      %dma_start3A_251 = tpu.memref_slice %arg5[%add3A_250] : memref<25600xi32, #tpu.memory_space<vmem>> -> memref<72xi32, #tpu.memory_space<vmem>>
      %dma_start3A_252 = arith.constant 0 : i32
      %dma_start3A_253 = arith.constant 0 : i32
      %dma_start3A_254 = tpu.memref_slice %arg3[%dma_start3A_252, %dma_start3A_253] : memref<1000000x128xf32, #tpu.memory_space<hbm>> -> memref<1000000x128xf32, #tpu.memory_space<hbm>>
      tpu.enqueue_indirect_dma source(%dma_start3A_254 : memref<1000000x128xf32, #tpu.memory_space<hbm>>) target(%arg9 : memref<72x128xf32, #tpu.memory_space<vmem>>) offsets(%dma_start3A_251 : memref<72xi32, #tpu.memory_space<vmem>>) semaphore(%arg12 : memref<!tpu.dma_semaphore, #tpu.memory_space<semaphore_mem>>)
    }
    %scan3A_26 = arith.constant 63 : i32
    %dma_wait3A = arith.constant 0 : i32
    %dma_wait3A_27 = tpu.memref_slice %arg5[%dma_wait3A] : memref<25600xi32, #tpu.memory_space<vmem>> -> memref<128xi32, #tpu.memory_space<vmem>>
    %dma_wait3A_28 = arith.constant 0 : i32
    %dma_wait3A_29 = arith.constant 0 : i32
    %dma_wait3A_30 = tpu.memref_slice %arg3[%dma_wait3A_28, %dma_wait3A_29] : memref<1000000x128xf32, #tpu.memory_space<hbm>> -> memref<1000000x128xf32, #tpu.memory_space<hbm>>
    tpu.wait_indirect_dma semaphore(%arg11 : memref<!tpu.dma_semaphore, #tpu.memory_space<semaphore_mem>>) src(%dma_wait3A_30 : memref<1000000x128xf32, #tpu.memory_space<hbm>>) dst(%arg6 : memref<128x128xf32, #tpu.memory_space<vmem>>)
    %dma_wait3A_31 = arith.constant 0 : i32
    %dma_wait3A_32 = tpu.memref_slice %arg5[%dma_wait3A_31] : memref<25600xi32, #tpu.memory_space<vmem>> -> memref<72xi32, #tpu.memory_space<vmem>>
    %dma_wait3A_33 = arith.constant 0 : i32
    %dma_wait3A_34 = arith.constant 0 : i32
    %dma_wait3A_35 = tpu.memref_slice %arg3[%dma_wait3A_33, %dma_wait3A_34] : memref<1000000x128xf32, #tpu.memory_space<hbm>> -> memref<1000000x128xf32, #tpu.memory_space<hbm>>
    tpu.wait_indirect_dma semaphore(%arg11 : memref<!tpu.dma_semaphore, #tpu.memory_space<semaphore_mem>>) src(%dma_wait3A_35 : memref<1000000x128xf32, #tpu.memory_space<hbm>>) dst(%arg7 : memref<72x128xf32, #tpu.memory_space<vmem>>)
    %broadcast_in_dim3A = arith.constant 0.000000e+00 : f32
    %broadcast_in_dim3A_36 = vector.broadcast %broadcast_in_dim3A : f32 to vector<16xf32>
    %scan3A_37 = arith.constant 0 : i32
    %scan3A_38 = arith.constant 128 : i32
    %scan3A_39 = arith.addi %scan3A_37, %scan3A_38 : i32
    %scan3A_40 = arith.constant 4 : i32
    %scan3A_41:4 = scf.for %scan3A_114 = %scan3A_37 to %scan3A_39 step %scan3A_40 iter_args(%scan3A_115 = %broadcast_in_dim3A_36, %scan3A_116 = %broadcast_in_dim3A_36, %scan3A_117 = %broadcast_in_dim3A_36, %scan3A_118 = %broadcast_in_dim3A_36) -> (vector<16xf32>, vector<16xf32>, vector<16xf32>, vector<16xf32>)  : i32 {
      %get3A = arith.index_cast %scan3A_114 : i32 to index
      %get3A_119 = arith.constant 0 : index
      %get3A_120 = tpu.vector_load %arg6[%get3A, %get3A_119] {strides = array<i32>} : memref<128x128xf32, #tpu.memory_space<vmem>>, vector<16xf32>,
      %add3A_121 = arith.addf %scan3A_115, %get3A_120 : vector<16xf32>
      %get3A_122 = arith.index_cast %scan3A_114 : i32 to index
      %get3A_123 = arith.constant 16 : index
      %get3A_124 = tpu.vector_load %arg6[%get3A_122, %get3A_123] {strides = array<i32>} : memref<128x128xf32, #tpu.memory_space<vmem>>, vector<16xf32>,
      %add3A_125 = arith.addf %scan3A_116, %get3A_124 : vector<16xf32>
      %get3A_126 = arith.index_cast %scan3A_114 : i32 to index
      %get3A_127 = arith.constant 32 : index
      %get3A_128 = tpu.vector_load %arg6[%get3A_126, %get3A_127] {strides = array<i32>} : memref<128x128xf32, #tpu.memory_space<vmem>>, vector<16xf32>,
      %add3A_129 = arith.addf %scan3A_117, %get3A_128 : vector<16xf32>
      %get3A_130 = arith.index_cast %scan3A_114 : i32 to index
      %get3A_131 = arith.constant 34 : index
      %get3A_132 = tpu.vector_load %arg6[%get3A_130, %get3A_131] {strides = array<i32>} : memref<128x128xf32, #tpu.memory_space<vmem>>, vector<16xf32>,
      %add3A_133 = arith.addf %scan3A_118, %get3A_132 : vector<16xf32>
      %scan3A_134 = arith.constant 1 : i32
      %scan3A_135 = arith.addi %scan3A_114, %scan3A_134 : i32
      %get3A_136 = arith.index_cast %scan3A_135 : i32 to index
      %get3A_137 = arith.constant 0 : index
      %get3A_138 = tpu.vector_load %arg6[%get3A_136, %get3A_137] {strides = array<i32>} : memref<128x128xf32, #tpu.memory_space<vmem>>, vector<16xf32>,
      %add3A_139 = arith.addf %add3A_121, %get3A_138 : vector<16xf32>
      %get3A_140 = arith.index_cast %scan3A_135 : i32 to index
      %get3A_141 = arith.constant 16 : index
      %get3A_142 = tpu.vector_load %arg6[%get3A_140, %get3A_141] {strides = array<i32>} : memref<128x128xf32, #tpu.memory_space<vmem>>, vector<16xf32>,
      %add3A_143 = arith.addf %add3A_125, %get3A_142 : vector<16xf32>
      %get3A_144 = arith.index_cast %scan3A_135 : i32 to index
      %get3A_145 = arith.constant 32 : index
      %get3A_146 = tpu.vector_load %arg6[%get3A_144, %get3A_145] {strides = array<i32>} : memref<128x128xf32, #tpu.memory_space<vmem>>, vector<16xf32>,
      %add3A_147 = arith.addf %add3A_129, %get3A_146 : vector<16xf32>
      %get3A_148 = arith.index_cast %scan3A_135 : i32 to index
      %get3A_149 = arith.constant 34 : index
      %get3A_150 = tpu.vector_load %arg6[%get3A_148, %get3A_149] {strides = array<i32>} : memref<128x128xf32, #tpu.memory_space<vmem>>, vector<16xf32>,
      %add3A_151 = arith.addf %add3A_133, %get3A_150 : vector<16xf32>
      %scan3A_152 = arith.constant 2 : i32
      %scan3A_153 = arith.addi %scan3A_114, %scan3A_152 : i32
      %get3A_154 = arith.index_cast %scan3A_153 : i32 to index
      %get3A_155 = arith.constant 0 : index
      %get3A_156 = tpu.vector_load %arg6[%get3A_154, %get3A_155] {strides = array<i32>} : memref<128x128xf32, #tpu.memory_space<vmem>>, vector<16xf32>,
      %add3A_157 = arith.addf %add3A_139, %get3A_156 : vector<16xf32>
      %get3A_158 = arith.index_cast %scan3A_153 : i32 to index
      %get3A_159 = arith.constant 16 : index
      %get3A_160 = tpu.vector_load %arg6[%get3A_158, %get3A_159] {strides = array<i32>} : memref<128x128xf32, #tpu.memory_space<vmem>>, vector<16xf32>,
      %add3A_161 = arith.addf %add3A_143, %get3A_160 : vector<16xf32>
      %get3A_162 = arith.index_cast %scan3A_153 : i32 to index
      %get3A_163 = arith.constant 32 : index
      %get3A_164 = tpu.vector_load %arg6[%get3A_162, %get3A_163] {strides = array<i32>} : memref<128x128xf32, #tpu.memory_space<vmem>>, vector<16xf32>,
      %add3A_165 = arith.addf %add3A_147, %get3A_164 : vector<16xf32>
      %get3A_166 = arith.index_cast %scan3A_153 : i32 to index
      %get3A_167 = arith.constant 34 : index
      %get3A_168 = tpu.vector_load %arg6[%get3A_166, %get3A_167] {strides = array<i32>} : memref<128x128xf32, #tpu.memory_space<vmem>>, vector<16xf32>,
      %add3A_169 = arith.addf %add3A_151, %get3A_168 : vector<16xf32>
      %scan3A_170 = arith.constant 3 : i32
      %scan3A_171 = arith.addi %scan3A_114, %scan3A_170 : i32
      %get3A_172 = arith.index_cast %scan3A_171 : i32 to index
      %get3A_173 = arith.constant 0 : index
      %get3A_174 = tpu.vector_load %arg6[%get3A_172, %get3A_173] {strides = array<i32>} : memref<128x128xf32, #tpu.memory_space<vmem>>, vector<16xf32>,
      %add3A_175 = arith.addf %add3A_157, %get3A_174 : vector<16xf32>
      %get3A_176 = arith.index_cast %scan3A_171 : i32 to index
      %get3A_177 = arith.constant 16 : index
      %get3A_178 = tpu.vector_load %arg6[%get3A_176, %get3A_177] {strides = array<i32>} : memref<128x128xf32, #tpu.memory_space<vmem>>, vector<16xf32>,
      %add3A_179 = arith.addf %add3A_161, %get3A_178 : vector<16xf32>
      %get3A_180 = arith.index_cast %scan3A_171 : i32 to index
      %get3A_181 = arith.constant 32 : index
      %get3A_182 = tpu.vector_load %arg6[%get3A_180, %get3A_181] {strides = array<i32>} : memref<128x128xf32, #tpu.memory_space<vmem>>, vector<16xf32>,
      %add3A_183 = arith.addf %add3A_165, %get3A_182 : vector<16xf32>
      %get3A_184 = arith.index_cast %scan3A_171 : i32 to index
      %get3A_185 = arith.constant 34 : index
      %get3A_186 = tpu.vector_load %arg6[%get3A_184, %get3A_185] {strides = array<i32>} : memref<128x128xf32, #tpu.memory_space<vmem>>, vector<16xf32>,
      %add3A_187 = arith.addf %add3A_169, %get3A_186 : vector<16xf32>
      scf.yield %add3A_175, %add3A_179, %add3A_183, %add3A_187 : vector<16xf32>, vector<16xf32>, vector<16xf32>, vector<16xf32>
    }
    %scan3A_42 = arith.constant 128 : i32
    %scan3A_43 = arith.constant 0 : i32
    %scan3A_44 = arith.constant 72 : i32
    %scan3A_45 = arith.addi %scan3A_43, %scan3A_44 : i32
    %scan3A_46 = arith.constant 4 : i32
    %scan3A_47:4 = scf.for %scan3A_114 = %scan3A_43 to %scan3A_45 step %scan3A_46 iter_args(%scan3A_115 = %scan3A_41#0, %scan3A_116 = %scan3A_41#1, %scan3A_117 = %scan3A_41#2, %scan3A_118 = %scan3A_41#3) -> (vector<16xf32>, vector<16xf32>, vector<16xf32>, vector<16xf32>)  : i32 {
      %get3A = arith.index_cast %scan3A_114 : i32 to index
      %get3A_119 = arith.constant 0 : index
      %get3A_120 = tpu.vector_load %arg7[%get3A, %get3A_119] {strides = array<i32>} : memref<72x128xf32, #tpu.memory_space<vmem>>, vector<16xf32>,
      %add3A_121 = arith.addf %scan3A_115, %get3A_120 : vector<16xf32>
      %get3A_122 = arith.index_cast %scan3A_114 : i32 to index
      %get3A_123 = arith.constant 16 : index
      %get3A_124 = tpu.vector_load %arg7[%get3A_122, %get3A_123] {strides = array<i32>} : memref<72x128xf32, #tpu.memory_space<vmem>>, vector<16xf32>,
      %add3A_125 = arith.addf %scan3A_116, %get3A_124 : vector<16xf32>
      %get3A_126 = arith.index_cast %scan3A_114 : i32 to index
      %get3A_127 = arith.constant 32 : index
      %get3A_128 = tpu.vector_load %arg7[%get3A_126, %get3A_127] {strides = array<i32>} : memref<72x128xf32, #tpu.memory_space<vmem>>, vector<16xf32>,
      %add3A_129 = arith.addf %scan3A_117, %get3A_128 : vector<16xf32>
      %get3A_130 = arith.index_cast %scan3A_114 : i32 to index
      %get3A_131 = arith.constant 34 : index
      %get3A_132 = tpu.vector_load %arg7[%get3A_130, %get3A_131] {strides = array<i32>} : memref<72x128xf32, #tpu.memory_space<vmem>>, vector<16xf32>,
      %add3A_133 = arith.addf %scan3A_118, %get3A_132 : vector<16xf32>
      %scan3A_134 = arith.constant 1 : i32
      %scan3A_135 = arith.addi %scan3A_114, %scan3A_134 : i32
      %get3A_136 = arith.index_cast %scan3A_135 : i32 to index
      %get3A_137 = arith.constant 0 : index
      %get3A_138 = tpu.vector_load %arg7[%get3A_136, %get3A_137] {strides = array<i32>} : memref<72x128xf32, #tpu.memory_space<vmem>>, vector<16xf32>,
      %add3A_139 = arith.addf %add3A_121, %get3A_138 : vector<16xf32>
      %get3A_140 = arith.index_cast %scan3A_135 : i32 to index
      %get3A_141 = arith.constant 16 : index
      %get3A_142 = tpu.vector_load %arg7[%get3A_140, %get3A_141] {strides = array<i32>} : memref<72x128xf32, #tpu.memory_space<vmem>>, vector<16xf32>,
      %add3A_143 = arith.addf %add3A_125, %get3A_142 : vector<16xf32>
      %get3A_144 = arith.index_cast %scan3A_135 : i32 to index
      %get3A_145 = arith.constant 32 : index
      %get3A_146 = tpu.vector_load %arg7[%get3A_144, %get3A_145] {strides = array<i32>} : memref<72x128xf32, #tpu.memory_space<vmem>>, vector<16xf32>,
      %add3A_147 = arith.addf %add3A_129, %get3A_146 : vector<16xf32>
      %get3A_148 = arith.index_cast %scan3A_135 : i32 to index
      %get3A_149 = arith.constant 34 : index
      %get3A_150 = tpu.vector_load %arg7[%get3A_148, %get3A_149] {strides = array<i32>} : memref<72x128xf32, #tpu.memory_space<vmem>>, vector<16xf32>,
      %add3A_151 = arith.addf %add3A_133, %get3A_150 : vector<16xf32>
      %scan3A_152 = arith.constant 2 : i32
      %scan3A_153 = arith.addi %scan3A_114, %scan3A_152 : i32
      %get3A_154 = arith.index_cast %scan3A_153 : i32 to index
      %get3A_155 = arith.constant 0 : index
      %get3A_156 = tpu.vector_load %arg7[%get3A_154, %get3A_155] {strides = array<i32>} : memref<72x128xf32, #tpu.memory_space<vmem>>, vector<16xf32>,
      %add3A_157 = arith.addf %add3A_139, %get3A_156 : vector<16xf32>
      %get3A_158 = arith.index_cast %scan3A_153 : i32 to index
      %get3A_159 = arith.constant 16 : index
      %get3A_160 = tpu.vector_load %arg7[%get3A_158, %get3A_159] {strides = array<i32>} : memref<72x128xf32, #tpu.memory_space<vmem>>, vector<16xf32>,
      %add3A_161 = arith.addf %add3A_143, %get3A_160 : vector<16xf32>
      %get3A_162 = arith.index_cast %scan3A_153 : i32 to index
      %get3A_163 = arith.constant 32 : index
      %get3A_164 = tpu.vector_load %arg7[%get3A_162, %get3A_163] {strides = array<i32>} : memref<72x128xf32, #tpu.memory_space<vmem>>, vector<16xf32>,
      %add3A_165 = arith.addf %add3A_147, %get3A_164 : vector<16xf32>
      %get3A_166 = arith.index_cast %scan3A_153 : i32 to index
      %get3A_167 = arith.constant 34 : index
      %get3A_168 = tpu.vector_load %arg7[%get3A_166, %get3A_167] {strides = array<i32>} : memref<72x128xf32, #tpu.memory_space<vmem>>, vector<16xf32>,
      %add3A_169 = arith.addf %add3A_151, %get3A_168 : vector<16xf32>
      %scan3A_170 = arith.constant 3 : i32
      %scan3A_171 = arith.addi %scan3A_114, %scan3A_170 : i32
      %get3A_172 = arith.index_cast %scan3A_171 : i32 to index
      %get3A_173 = arith.constant 0 : index
      %get3A_174 = tpu.vector_load %arg7[%get3A_172, %get3A_173] {strides = array<i32>} : memref<72x128xf32, #tpu.memory_space<vmem>>, vector<16xf32>,
      %add3A_175 = arith.addf %add3A_157, %get3A_174 : vector<16xf32>
      %get3A_176 = arith.index_cast %scan3A_171 : i32 to index
      %get3A_177 = arith.constant 16 : index
      %get3A_178 = tpu.vector_load %arg7[%get3A_176, %get3A_177] {strides = array<i32>} : memref<72x128xf32, #tpu.memory_space<vmem>>, vector<16xf32>,
      %add3A_179 = arith.addf %add3A_161, %get3A_178 : vector<16xf32>
      %get3A_180 = arith.index_cast %scan3A_171 : i32 to index
      %get3A_181 = arith.constant 32 : index
      %get3A_182 = tpu.vector_load %arg7[%get3A_180, %get3A_181] {strides = array<i32>} : memref<72x128xf32, #tpu.memory_space<vmem>>, vector<16xf32>,
      %add3A_183 = arith.addf %add3A_165, %get3A_182 : vector<16xf32>
      %get3A_184 = arith.index_cast %scan3A_171 : i32 to index
      %get3A_185 = arith.constant 34 : index
      %get3A_186 = tpu.vector_load %arg7[%get3A_184, %get3A_185] {strides = array<i32>} : memref<72x128xf32, #tpu.memory_space<vmem>>, vector<16xf32>,
      %add3A_187 = arith.addf %add3A_169, %get3A_186 : vector<16xf32>
      scf.yield %add3A_175, %add3A_179, %add3A_183, %add3A_187 : vector<16xf32>, vector<16xf32>, vector<16xf32>, vector<16xf32>
    }
    %scan3A_48 = arith.constant 72 : i32
    %mul3A_49 = arith.constant 5.000000e-03 : f32
    %mul3A_50 = vector.broadcast %mul3A_49 : f32 to vector<16xf32>
    %mul3A_51 = arith.mulf %scan3A_47#0, %mul3A_50 : vector<16xf32>
    %swap3A = arith.constant 6300 : index
    %swap3A_52 = tpu.vector_load %arg10[%swap3A] {strides = array<i32>} : memref<6400xf32, #tpu.memory_space<vmem>>, vector<16xf32>,
    tpu.vector_store %arg10[%swap3A], %mul3A_51 {strides = array<i32>} : memref<6400xf32, #tpu.memory_space<vmem>>, vector<16xf32>,
    %mul3A_53 = arith.constant 5.000000e-03 : f32
    %mul3A_54 = vector.broadcast %mul3A_53 : f32 to vector<16xf32>
    %mul3A_55 = arith.mulf %scan3A_47#1, %mul3A_54 : vector<16xf32>
    %swap3A_56 = arith.constant 6316 : index
    %swap3A_57 = tpu.vector_load %arg10[%swap3A_56] {strides = array<i32>} : memref<6400xf32, #tpu.memory_space<vmem>>, vector<16xf32>,
    tpu.vector_store %arg10[%swap3A_56], %mul3A_55 {strides = array<i32>} : memref<6400xf32, #tpu.memory_space<vmem>>, vector<16xf32>,
    %mul3A_58 = arith.constant 5.000000e-03 : f32
    %mul3A_59 = vector.broadcast %mul3A_58 : f32 to vector<16xf32>
    %mul3A_60 = arith.mulf %scan3A_47#2, %mul3A_59 : vector<16xf32>
    %swap3A_61 = arith.constant 6332 : index
    %swap3A_62 = tpu.vector_load %arg10[%swap3A_61] {strides = array<i32>} : memref<6400xf32, #tpu.memory_space<vmem>>, vector<16xf32>,
    tpu.vector_store %arg10[%swap3A_61], %mul3A_60 {strides = array<i32>} : memref<6400xf32, #tpu.memory_space<vmem>>, vector<16xf32>,
    %mul3A_63 = arith.constant 5.000000e-03 : f32
    %mul3A_64 = vector.broadcast %mul3A_63 : f32 to vector<16xf32>
    %mul3A_65 = arith.mulf %scan3A_47#3, %mul3A_64 : vector<16xf32>
    %swap3A_66 = arith.constant 6334 : index
    %swap3A_67 = tpu.vector_load %arg10[%swap3A_66] {strides = array<i32>} : memref<6400xf32, #tpu.memory_space<vmem>>, vector<16xf32>,
    tpu.vector_store %arg10[%swap3A_66], %mul3A_65 {strides = array<i32>} : memref<6400xf32, #tpu.memory_space<vmem>>, vector<16xf32>,
    %dma_wait3A_68 = arith.constant 0 : i32
    %dma_wait3A_69 = tpu.memref_slice %arg5[%dma_wait3A_68] : memref<25600xi32, #tpu.memory_space<vmem>> -> memref<128xi32, #tpu.memory_space<vmem>>
    %dma_wait3A_70 = arith.constant 0 : i32
    %dma_wait3A_71 = arith.constant 0 : i32
    %dma_wait3A_72 = tpu.memref_slice %arg3[%dma_wait3A_70, %dma_wait3A_71] : memref<1000000x128xf32, #tpu.memory_space<hbm>> -> memref<1000000x128xf32, #tpu.memory_space<hbm>>
    tpu.wait_indirect_dma semaphore(%arg12 : memref<!tpu.dma_semaphore, #tpu.memory_space<semaphore_mem>>) src(%dma_wait3A_72 : memref<1000000x128xf32, #tpu.memory_space<hbm>>) dst(%arg8 : memref<128x128xf32, #tpu.memory_space<vmem>>)
    %dma_wait3A_73 = arith.constant 0 : i32
    %dma_wait3A_74 = tpu.memref_slice %arg5[%dma_wait3A_73] : memref<25600xi32, #tpu.memory_space<vmem>> -> memref<72xi32, #tpu.memory_space<vmem>>
    %dma_wait3A_75 = arith.constant 0 : i32
    %dma_wait3A_76 = arith.constant 0 : i32
    %dma_wait3A_77 = tpu.memref_slice %arg3[%dma_wait3A_75, %dma_wait3A_76] : memref<1000000x128xf32, #tpu.memory_space<hbm>> -> memref<1000000x128xf32, #tpu.memory_space<hbm>>
    tpu.wait_indirect_dma semaphore(%arg12 : memref<!tpu.dma_semaphore, #tpu.memory_space<semaphore_mem>>) src(%dma_wait3A_77 : memref<1000000x128xf32, #tpu.memory_space<hbm>>) dst(%arg9 : memref<72x128xf32, #tpu.memory_space<vmem>>)
    %broadcast_in_dim3A_78 = arith.constant 0.000000e+00 : f32
    %broadcast_in_dim3A_79 = vector.broadcast %broadcast_in_dim3A_78 : f32 to vector<16xf32>
    %scan3A_80 = arith.constant 0 : i32
    %scan3A_81 = arith.constant 128 : i32
    %scan3A_82 = arith.addi %scan3A_80, %scan3A_81 : i32
    %scan3A_83 = arith.constant 4 : i32
    %scan3A_84:4 = scf.for %scan3A_114 = %scan3A_80 to %scan3A_82 step %scan3A_83 iter_args(%scan3A_115 = %broadcast_in_dim3A_79, %scan3A_116 = %broadcast_in_dim3A_79, %scan3A_117 = %broadcast_in_dim3A_79, %scan3A_118 = %broadcast_in_dim3A_79) -> (vector<16xf32>, vector<16xf32>, vector<16xf32>, vector<16xf32>)  : i32 {
      %get3A = arith.index_cast %scan3A_114 : i32 to index
      %get3A_119 = arith.constant 0 : index
      %get3A_120 = tpu.vector_load %arg8[%get3A, %get3A_119] {strides = array<i32>} : memref<128x128xf32, #tpu.memory_space<vmem>>, vector<16xf32>,
      %add3A_121 = arith.addf %scan3A_115, %get3A_120 : vector<16xf32>
      %get3A_122 = arith.index_cast %scan3A_114 : i32 to index
      %get3A_123 = arith.constant 16 : index
      %get3A_124 = tpu.vector_load %arg8[%get3A_122, %get3A_123] {strides = array<i32>} : memref<128x128xf32, #tpu.memory_space<vmem>>, vector<16xf32>,
      %add3A_125 = arith.addf %scan3A_116, %get3A_124 : vector<16xf32>
      %get3A_126 = arith.index_cast %scan3A_114 : i32 to index
      %get3A_127 = arith.constant 32 : index
      %get3A_128 = tpu.vector_load %arg8[%get3A_126, %get3A_127] {strides = array<i32>} : memref<128x128xf32, #tpu.memory_space<vmem>>, vector<16xf32>,
      %add3A_129 = arith.addf %scan3A_117, %get3A_128 : vector<16xf32>
      %get3A_130 = arith.index_cast %scan3A_114 : i32 to index
      %get3A_131 = arith.constant 34 : index
      %get3A_132 = tpu.vector_load %arg8[%get3A_130, %get3A_131] {strides = array<i32>} : memref<128x128xf32, #tpu.memory_space<vmem>>, vector<16xf32>,
      %add3A_133 = arith.addf %scan3A_118, %get3A_132 : vector<16xf32>
      %scan3A_134 = arith.constant 1 : i32
      %scan3A_135 = arith.addi %scan3A_114, %scan3A_134 : i32
      %get3A_136 = arith.index_cast %scan3A_135 : i32 to index
      %get3A_137 = arith.constant 0 : index
      %get3A_138 = tpu.vector_load %arg8[%get3A_136, %get3A_137] {strides = array<i32>} : memref<128x128xf32, #tpu.memory_space<vmem>>, vector<16xf32>,
      %add3A_139 = arith.addf %add3A_121, %get3A_138 : vector<16xf32>
      %get3A_140 = arith.index_cast %scan3A_135 : i32 to index
      %get3A_141 = arith.constant 16 : index
      %get3A_142 = tpu.vector_load %arg8[%get3A_140, %get3A_141] {strides = array<i32>} : memref<128x128xf32, #tpu.memory_space<vmem>>, vector<16xf32>,
      %add3A_143 = arith.addf %add3A_125, %get3A_142 : vector<16xf32>
      %get3A_144 = arith.index_cast %scan3A_135 : i32 to index
      %get3A_145 = arith.constant 32 : index
      %get3A_146 = tpu.vector_load %arg8[%get3A_144, %get3A_145] {strides = array<i32>} : memref<128x128xf32, #tpu.memory_space<vmem>>, vector<16xf32>,
      %add3A_147 = arith.addf %add3A_129, %get3A_146 : vector<16xf32>
      %get3A_148 = arith.index_cast %scan3A_135 : i32 to index
      %get3A_149 = arith.constant 34 : index
      %get3A_150 = tpu.vector_load %arg8[%get3A_148, %get3A_149] {strides = array<i32>} : memref<128x128xf32, #tpu.memory_space<vmem>>, vector<16xf32>,
      %add3A_151 = arith.addf %add3A_133, %get3A_150 : vector<16xf32>
      %scan3A_152 = arith.constant 2 : i32
      %scan3A_153 = arith.addi %scan3A_114, %scan3A_152 : i32
      %get3A_154 = arith.index_cast %scan3A_153 : i32 to index
      %get3A_155 = arith.constant 0 : index
      %get3A_156 = tpu.vector_load %arg8[%get3A_154, %get3A_155] {strides = array<i32>} : memref<128x128xf32, #tpu.memory_space<vmem>>, vector<16xf32>,
      %add3A_157 = arith.addf %add3A_139, %get3A_156 : vector<16xf32>
      %get3A_158 = arith.index_cast %scan3A_153 : i32 to index
      %get3A_159 = arith.constant 16 : index
      %get3A_160 = tpu.vector_load %arg8[%get3A_158, %get3A_159] {strides = array<i32>} : memref<128x128xf32, #tpu.memory_space<vmem>>, vector<16xf32>,
      %add3A_161 = arith.addf %add3A_143, %get3A_160 : vector<16xf32>
      %get3A_162 = arith.index_cast %scan3A_153 : i32 to index
      %get3A_163 = arith.constant 32 : index
      %get3A_164 = tpu.vector_load %arg8[%get3A_162, %get3A_163] {strides = array<i32>} : memref<128x128xf32, #tpu.memory_space<vmem>>, vector<16xf32>,
      %add3A_165 = arith.addf %add3A_147, %get3A_164 : vector<16xf32>
      %get3A_166 = arith.index_cast %scan3A_153 : i32 to index
      %get3A_167 = arith.constant 34 : index
      %get3A_168 = tpu.vector_load %arg8[%get3A_166, %get3A_167] {strides = array<i32>} : memref<128x128xf32, #tpu.memory_space<vmem>>, vector<16xf32>,
      %add3A_169 = arith.addf %add3A_151, %get3A_168 : vector<16xf32>
      %scan3A_170 = arith.constant 3 : i32
      %scan3A_171 = arith.addi %scan3A_114, %scan3A_170 : i32
      %get3A_172 = arith.index_cast %scan3A_171 : i32 to index
      %get3A_173 = arith.constant 0 : index
      %get3A_174 = tpu.vector_load %arg8[%get3A_172, %get3A_173] {strides = array<i32>} : memref<128x128xf32, #tpu.memory_space<vmem>>, vector<16xf32>,
      %add3A_175 = arith.addf %add3A_157, %get3A_174 : vector<16xf32>
      %get3A_176 = arith.index_cast %scan3A_171 : i32 to index
      %get3A_177 = arith.constant 16 : index
      %get3A_178 = tpu.vector_load %arg8[%get3A_176, %get3A_177] {strides = array<i32>} : memref<128x128xf32, #tpu.memory_space<vmem>>, vector<16xf32>,
      %add3A_179 = arith.addf %add3A_161, %get3A_178 : vector<16xf32>
      %get3A_180 = arith.index_cast %scan3A_171 : i32 to index
      %get3A_181 = arith.constant 32 : index
      %get3A_182 = tpu.vector_load %arg8[%get3A_180, %get3A_181] {strides = array<i32>} : memref<128x128xf32, #tpu.memory_space<vmem>>, vector<16xf32>,
      %add3A_183 = arith.addf %add3A_165, %get3A_182 : vector<16xf32>
      %get3A_184 = arith.index_cast %scan3A_171 : i32 to index
      %get3A_185 = arith.constant 34 : index
      %get3A_186 = tpu.vector_load %arg8[%get3A_184, %get3A_185] {strides = array<i32>} : memref<128x128xf32, #tpu.memory_space<vmem>>, vector<16xf32>,
      %add3A_187 = arith.addf %add3A_169, %get3A_186 : vector<16xf32>
      scf.yield %add3A_175, %add3A_179, %add3A_183, %add3A_187 : vector<16xf32>, vector<16xf32>, vector<16xf32>, vector<16xf32>
    }
    %scan3A_85 = arith.constant 128 : i32
    %scan3A_86 = arith.constant 0 : i32
    %scan3A_87 = arith.constant 72 : i32
    %scan3A_88 = arith.addi %scan3A_86, %scan3A_87 : i32
    %scan3A_89 = arith.constant 4 : i32
    %scan3A_90:4 = scf.for %scan3A_114 = %scan3A_86 to %scan3A_88 step %scan3A_89 iter_args(%scan3A_115 = %scan3A_84#0, %scan3A_116 = %scan3A_84#1, %scan3A_117 = %scan3A_84#2, %scan3A_118 = %scan3A_84#3) -> (vector<16xf32>, vector<16xf32>, vector<16xf32>, vector<16xf32>)  : i32 {
      %get3A = arith.index_cast %scan3A_114 : i32 to index
      %get3A_119 = arith.constant 0 : index
      %get3A_120 = tpu.vector_load %arg9[%get3A, %get3A_119] {strides = array<i32>} : memref<72x128xf32, #tpu.memory_space<vmem>>, vector<16xf32>,
      %add3A_121 = arith.addf %scan3A_115, %get3A_120 : vector<16xf32>
      %get3A_122 = arith.index_cast %scan3A_114 : i32 to index
      %get3A_123 = arith.constant 16 : index
      %get3A_124 = tpu.vector_load %arg9[%get3A_122, %get3A_123] {strides = array<i32>} : memref<72x128xf32, #tpu.memory_space<vmem>>, vector<16xf32>,
      %add3A_125 = arith.addf %scan3A_116, %get3A_124 : vector<16xf32>
      %get3A_126 = arith.index_cast %scan3A_114 : i32 to index
      %get3A_127 = arith.constant 32 : index
      %get3A_128 = tpu.vector_load %arg9[%get3A_126, %get3A_127] {strides = array<i32>} : memref<72x128xf32, #tpu.memory_space<vmem>>, vector<16xf32>,
      %add3A_129 = arith.addf %scan3A_117, %get3A_128 : vector<16xf32>
      %get3A_130 = arith.index_cast %scan3A_114 : i32 to index
      %get3A_131 = arith.constant 34 : index
      %get3A_132 = tpu.vector_load %arg9[%get3A_130, %get3A_131] {strides = array<i32>} : memref<72x128xf32, #tpu.memory_space<vmem>>, vector<16xf32>,
      %add3A_133 = arith.addf %scan3A_118, %get3A_132 : vector<16xf32>
      %scan3A_134 = arith.constant 1 : i32
      %scan3A_135 = arith.addi %scan3A_114, %scan3A_134 : i32
      %get3A_136 = arith.index_cast %scan3A_135 : i32 to index
      %get3A_137 = arith.constant 0 : index
      %get3A_138 = tpu.vector_load %arg9[%get3A_136, %get3A_137] {strides = array<i32>} : memref<72x128xf32, #tpu.memory_space<vmem>>, vector<16xf32>,
      %add3A_139 = arith.addf %add3A_121, %get3A_138 : vector<16xf32>
      %get3A_140 = arith.index_cast %scan3A_135 : i32 to index
      %get3A_141 = arith.constant 16 : index
      %get3A_142 = tpu.vector_load %arg9[%get3A_140, %get3A_141] {strides = array<i32>} : memref<72x128xf32, #tpu.memory_space<vmem>>, vector<16xf32>,
      %add3A_143 = arith.addf %add3A_125, %get3A_142 : vector<16xf32>
      %get3A_144 = arith.index_cast %scan3A_135 : i32 to index
      %get3A_145 = arith.constant 32 : index
      %get3A_146 = tpu.vector_load %arg9[%get3A_144, %get3A_145] {strides = array<i32>} : memref<72x128xf32, #tpu.memory_space<vmem>>, vector<16xf32>,
      %add3A_147 = arith.addf %add3A_129, %get3A_146 : vector<16xf32>
      %get3A_148 = arith.index_cast %scan3A_135 : i32 to index
      %get3A_149 = arith.constant 34 : index
      %get3A_150 = tpu.vector_load %arg9[%get3A_148, %get3A_149] {strides = array<i32>} : memref<72x128xf32, #tpu.memory_space<vmem>>, vector<16xf32>,
      %add3A_151 = arith.addf %add3A_133, %get3A_150 : vector<16xf32>
      %scan3A_152 = arith.constant 2 : i32
      %scan3A_153 = arith.addi %scan3A_114, %scan3A_152 : i32
      %get3A_154 = arith.index_cast %scan3A_153 : i32 to index
      %get3A_155 = arith.constant 0 : index
      %get3A_156 = tpu.vector_load %arg9[%get3A_154, %get3A_155] {strides = array<i32>} : memref<72x128xf32, #tpu.memory_space<vmem>>, vector<16xf32>,
      %add3A_157 = arith.addf %add3A_139, %get3A_156 : vector<16xf32>
      %get3A_158 = arith.index_cast %scan3A_153 : i32 to index
      %get3A_159 = arith.constant 16 : index
      %get3A_160 = tpu.vector_load %arg9[%get3A_158, %get3A_159] {strides = array<i32>} : memref<72x128xf32, #tpu.memory_space<vmem>>, vector<16xf32>,
      %add3A_161 = arith.addf %add3A_143, %get3A_160 : vector<16xf32>
      %get3A_162 = arith.index_cast %scan3A_153 : i32 to index
      %get3A_163 = arith.constant 32 : index
      %get3A_164 = tpu.vector_load %arg9[%get3A_162, %get3A_163] {strides = array<i32>} : memref<72x128xf32, #tpu.memory_space<vmem>>, vector<16xf32>,
      %add3A_165 = arith.addf %add3A_147, %get3A_164 : vector<16xf32>
      %get3A_166 = arith.index_cast %scan3A_153 : i32 to index
      %get3A_167 = arith.constant 34 : index
      %get3A_168 = tpu.vector_load %arg9[%get3A_166, %get3A_167] {strides = array<i32>} : memref<72x128xf32, #tpu.memory_space<vmem>>, vector<16xf32>,
      %add3A_169 = arith.addf %add3A_151, %get3A_168 : vector<16xf32>
      %scan3A_170 = arith.constant 3 : i32
      %scan3A_171 = arith.addi %scan3A_114, %scan3A_170 : i32
      %get3A_172 = arith.index_cast %scan3A_171 : i32 to index
      %get3A_173 = arith.constant 0 : index
      %get3A_174 = tpu.vector_load %arg9[%get3A_172, %get3A_173] {strides = array<i32>} : memref<72x128xf32, #tpu.memory_space<vmem>>, vector<16xf32>,
      %add3A_175 = arith.addf %add3A_157, %get3A_174 : vector<16xf32>
      %get3A_176 = arith.index_cast %scan3A_171 : i32 to index
      %get3A_177 = arith.constant 16 : index
      %get3A_178 = tpu.vector_load %arg9[%get3A_176, %get3A_177] {strides = array<i32>} : memref<72x128xf32, #tpu.memory_space<vmem>>, vector<16xf32>,
      %add3A_179 = arith.addf %add3A_161, %get3A_178 : vector<16xf32>
      %get3A_180 = arith.index_cast %scan3A_171 : i32 to index
      %get3A_181 = arith.constant 32 : index
      %get3A_182 = tpu.vector_load %arg9[%get3A_180, %get3A_181] {strides = array<i32>} : memref<72x128xf32, #tpu.memory_space<vmem>>, vector<16xf32>,
      %add3A_183 = arith.addf %add3A_165, %get3A_182 : vector<16xf32>
      %get3A_184 = arith.index_cast %scan3A_171 : i32 to index
      %get3A_185 = arith.constant 34 : index
      %get3A_186 = tpu.vector_load %arg9[%get3A_184, %get3A_185] {strides = array<i32>} : memref<72x128xf32, #tpu.memory_space<vmem>>, vector<16xf32>,
      %add3A_187 = arith.addf %add3A_169, %get3A_186 : vector<16xf32>
      scf.yield %add3A_175, %add3A_179, %add3A_183, %add3A_187 : vector<16xf32>, vector<16xf32>, vector<16xf32>, vector<16xf32>
    }
    %scan3A_91 = arith.constant 72 : i32
    %mul3A_92 = arith.constant 5.000000e-03 : f32
    %mul3A_93 = vector.broadcast %mul3A_92 : f32 to vector<16xf32>
    %mul3A_94 = arith.mulf %scan3A_90#0, %mul3A_93 : vector<16xf32>
    %swap3A_95 = arith.constant 6350 : index
    %swap3A_96 = tpu.vector_load %arg10[%swap3A_95] {strides = array<i32>} : memref<6400xf32, #tpu.memory_space<vmem>>, vector<16xf32>,
    tpu.vector_store %arg10[%swap3A_95], %mul3A_94 {strides = array<i32>} : memref<6400xf32, #tpu.memory_space<vmem>>, vector<16xf32>,
    %mul3A_97 = arith.constant 5.000000e-03 : f32
    %mul3A_98 = vector.broadcast %mul3A_97 : f32 to vector<16xf32>
    %mul3A_99 = arith.mulf %scan3A_90#1, %mul3A_98 : vector<16xf32>
    %swap3A_100 = arith.constant 6366 : index
    %swap3A_101 = tpu.vector_load %arg10[%swap3A_100] {strides = array<i32>} : memref<6400xf32, #tpu.memory_space<vmem>>, vector<16xf32>,
    tpu.vector_store %arg10[%swap3A_100], %mul3A_99 {strides = array<i32>} : memref<6400xf32, #tpu.memory_space<vmem>>, vector<16xf32>,
    %mul3A_102 = arith.constant 5.000000e-03 : f32
    %mul3A_103 = vector.broadcast %mul3A_102 : f32 to vector<16xf32>
    %mul3A_104 = arith.mulf %scan3A_90#2, %mul3A_103 : vector<16xf32>
    %swap3A_105 = arith.constant 6382 : index
    %swap3A_106 = tpu.vector_load %arg10[%swap3A_105] {strides = array<i32>} : memref<6400xf32, #tpu.memory_space<vmem>>, vector<16xf32>,
    tpu.vector_store %arg10[%swap3A_105], %mul3A_104 {strides = array<i32>} : memref<6400xf32, #tpu.memory_space<vmem>>, vector<16xf32>,
    %mul3A_107 = arith.constant 5.000000e-03 : f32
    %mul3A_108 = vector.broadcast %mul3A_107 : f32 to vector<16xf32>
    %mul3A_109 = arith.mulf %scan3A_90#3, %mul3A_108 : vector<16xf32>
    %swap3A_110 = arith.constant 6384 : index
    %swap3A_111 = tpu.vector_load %arg10[%swap3A_110] {strides = array<i32>} : memref<6400xf32, #tpu.memory_space<vmem>>, vector<16xf32>,
    tpu.vector_store %arg10[%swap3A_110], %mul3A_109 {strides = array<i32>} : memref<6400xf32, #tpu.memory_space<vmem>>, vector<16xf32>,
    %mul3A_112 = arith.constant 6400 : i32
    %mul3A_113 = arith.muli %add3A, %mul3A_112 : i32
    "tpu.region"() ({
      %run_scoped3A = tpu.sem_alloc : memref<!tpu.dma_semaphore, #tpu.memory_space<semaphore_mem>>
      %dma_start3A_114 = tpu.memref_slice %arg4[%mul3A_113] : memref<204800xf32, #tpu.memory_space<hbm>> -> memref<6400xf32, #tpu.memory_space<hbm>>
      %dma_start3A_115 = tpu.memref_slice %arg4[%mul3A_113] : memref<204800xf32, #tpu.memory_space<hbm>> -> memref<6400xf32, #tpu.memory_space<hbm>>
      tpu.enqueue_dma source(%arg10 : memref<6400xf32, #tpu.memory_space<vmem>>) target(%dma_start3A_115 : memref<6400xf32, #tpu.memory_space<hbm>>) target_semaphore(%run_scoped3A : memref<!tpu.dma_semaphore, #tpu.memory_space<semaphore_mem>>)
      %dma_wait3A_116 = tpu.memref_slice %arg4[%mul3A_113] : memref<204800xf32, #tpu.memory_space<hbm>> -> memref<6400xf32, #tpu.memory_space<hbm>>
      %dma_wait3A_117 = tpu.memref_slice %arg4[%mul3A_113] : memref<204800xf32, #tpu.memory_space<hbm>> -> memref<6400xf32, #tpu.memory_space<hbm>>
      tpu.wait_dma2 semaphore(%run_scoped3A : memref<!tpu.dma_semaphore, #tpu.memory_space<semaphore_mem>>) src(%arg10 : memref<6400xf32, #tpu.memory_space<vmem>>) dst(%dma_wait3A_117 : memref<6400xf32, #tpu.memory_space<hbm>>)
      tpu.yield
    }) : () -> ()
    return
  }
}

module attributes {stable_mosaic.version = 14 : i64} {
  func.func @body(%arg0: memref<4096x50xf32, #tpu.memory_space<vmem>>, %arg1: memref<50x200xf32, #tpu.memory_space<vmem>>, %arg2: memref<1x200xf32, #tpu.memory_space<vmem>>, %arg3: memref<1x200xf32, #tpu.memory_space<vmem>>, %arg4: memref<1x200xf32, #tpu.memory_space<vmem>>, %arg5: memref<200x128xf32, #tpu.memory_space<vmem>>, %arg6: memref<1x128xf32, #tpu.memory_space<vmem>>, %arg7: memref<4096x128xf32, #tpu.memory_space<vmem>>) attributes {dimension_semantics = [], scalar_prefetch = 0 : i64, scratch_operands = 0 : i64, tpu.core_type = #tpu.core_type<tc>} {
    %get3A = arith.constant 0 : index
    %get3A_0 = arith.constant 0 : index
    %get3A_1 = vector.load %arg0[%get3A, %get3A_0] : memref<4096x50xf32, #tpu.memory_space<vmem>>, vector<4096x50xf32>
    %get3A_2 = arith.constant 0 : index
    %get3A_3 = arith.constant 0 : index
    %get3A_4 = vector.load %arg1[%get3A_2, %get3A_3] : memref<50x200xf32, #tpu.memory_space<vmem>>, vector<50x200xf32>
    %dot_general3A = arith.constant dense<0.000000e+00> : vector<4096x200xf32>
    %dot_general3A_5 = tpu.matmul %get3A_1, %get3A_4, %dot_general3A {dimension_numbers = #tpu.dot_dimension_numbers<[1], [0], [0], [1], [0, 0, 1, 1], [], []>, transpose_lhs_hint = false} : vector<4096x50xf32>, vector<50x200xf32>, vector<4096x200xf32> -> vector<4096x200xf32>
    %get3A_6 = arith.constant 0 : index
    %get3A_7 = arith.constant 0 : index
    %get3A_8 = vector.load %arg2[%get3A_6, %get3A_7] : memref<1x200xf32, #tpu.memory_space<vmem>>, vector<1x200xf32>
    %add3A = vector.broadcast %get3A_8 : vector<1x200xf32> to vector<4096x200xf32>
    %add3A_9 = arith.addf %dot_general3A_5, %add3A : vector<4096x200xf32>
    %reduce_sum3A = arith.constant dense<0.000000e+00> : vector<200xf32>
    %reduce_sum3A_10 = vector.multi_reduction <add>, %add3A_9, %reduce_sum3A [0] : vector<4096x200xf32> to vector<200xf32>
    %broadcast_in_dim3A = vector.shape_cast %reduce_sum3A_10 : vector<200xf32> to vector<1x200xf32>
    %div3A = arith.constant 4.096000e+03 : f32
    %div3A_11 = vector.broadcast %div3A : f32 to vector<1x200xf32>
    %div3A_12 = arith.divf %broadcast_in_dim3A, %div3A_11 : vector<1x200xf32>
    %sub3A = vector.broadcast %div3A_12 : vector<1x200xf32> to vector<4096x200xf32>
    %sub3A_13 = arith.subf %add3A_9, %sub3A : vector<4096x200xf32>
    %mul3A = arith.mulf %sub3A_13, %sub3A_13 : vector<4096x200xf32>
    %reduce_sum3A_14 = arith.constant dense<0.000000e+00> : vector<200xf32>
    %reduce_sum3A_15 = vector.multi_reduction <add>, %mul3A, %reduce_sum3A_14 [0] : vector<4096x200xf32> to vector<200xf32>
    %broadcast_in_dim3A_16 = vector.shape_cast %reduce_sum3A_15 : vector<200xf32> to vector<1x200xf32>
    %div3A_17 = arith.constant 4.096000e+03 : f32
    %div3A_18 = vector.broadcast %div3A_17 : f32 to vector<1x200xf32>
    %div3A_19 = arith.divf %broadcast_in_dim3A_16, %div3A_18 : vector<1x200xf32>
    %get3A_20 = arith.constant 0 : index
    %get3A_21 = arith.constant 0 : index
    %get3A_22 = vector.load %arg3[%get3A_20, %get3A_21] : memref<1x200xf32, #tpu.memory_space<vmem>>, vector<1x200xf32>
    %add3A_23 = arith.constant 9.99999974E-6 : f32
    %add3A_24 = vector.broadcast %add3A_23 : f32 to vector<1x200xf32>
    %add3A_25 = arith.addf %div3A_19, %add3A_24 : vector<1x200xf32>
    %rsqrt3A = math.rsqrt %add3A_25 : vector<1x200xf32>
    %mul3A_26 = arith.mulf %get3A_22, %rsqrt3A : vector<1x200xf32>
    %mul3A_27 = vector.broadcast %mul3A_26 : vector<1x200xf32> to vector<4096x200xf32>
    %mul3A_28 = arith.mulf %sub3A_13, %mul3A_27 : vector<4096x200xf32>
    %get3A_29 = arith.constant 0 : index
    %get3A_30 = arith.constant 0 : index
    %get3A_31 = vector.load %arg4[%get3A_29, %get3A_30] : memref<1x200xf32, #tpu.memory_space<vmem>>, vector<1x200xf32>
    %add3A_32 = vector.broadcast %get3A_31 : vector<1x200xf32> to vector<4096x200xf32>
    %add3A_33 = arith.addf %mul3A_28, %add3A_32 : vector<4096x200xf32>
    %get3A_34 = arith.constant 0 : index
    %get3A_35 = arith.constant 0 : index
    %get3A_36 = vector.load %arg5[%get3A_34, %get3A_35] : memref<200x128xf32, #tpu.memory_space<vmem>>, vector<200x128xf32>
    %dot_general3A_37 = arith.constant dense<0.000000e+00> : vector<4096x128xf32>
    %dot_general3A_38 = tpu.matmul %add3A_33, %get3A_36, %dot_general3A_37 {dimension_numbers = #tpu.dot_dimension_numbers<[1], [0], [0], [1], [0, 0, 1, 1], [], []>, transpose_lhs_hint = false} : vector<4096x200xf32>, vector<200x128xf32>, vector<4096x128xf32> -> vector<4096x128xf32>
    %get3A_39 = arith.constant 0 : index
    %get3A_40 = arith.constant 0 : index
    %get3A_41 = vector.load %arg6[%get3A_39, %get3A_40] : memref<1x128xf32, #tpu.memory_space<vmem>>, vector<1x128xf32>
    %add3A_42 = vector.broadcast %get3A_41 : vector<1x128xf32> to vector<4096x128xf32>
    %add3A_43 = arith.addf %dot_general3A_38, %add3A_42 : vector<4096x128xf32>
    %swap3A = arith.constant 0 : index
    %swap3A_44 = arith.constant 0 : index
    %swap3A_45 = vector.load %arg7[%swap3A, %swap3A_44] : memref<4096x128xf32, #tpu.memory_space<vmem>>, vector<4096x128xf32>
    tpu.vector_store %arg7[%swap3A, %swap3A_44], %add3A_43 {strides = array<i32>} : memref<4096x128xf32, #tpu.memory_space<vmem>>, vector<4096x128xf32>,
    return
  }
}

</mosaic_0001>

<sc_bundles>
// kernel: kernel.4.cloned.1.call-start
scs
__scs_entry_jumppad:
0x0: {  	(pc) =	sbr.rel $0x88, $3  }
0x1: {  	(tag) =	ssettag $0x0;
	lr =	simm.s32 $0x1  }
0x2: {  	[smem:$0x3F99] =	sst lr;
	_ =	strace $0xD0000000  }
0x3: {  	_ = 	snop  }
0x4: {  	_ = 	snop  }
0x5: {  	_ = 	snop  }
0x6: {  	_ = 	snop  }
0x7: {  	_ = 	snop  }
__scs_overlays_trampoline_lowered:
0x8: {  	[smem:$0x3FA8] =	sst s0  }
0x9: {  	[smem:$0x3FA9] =	sst s1  }
0xa: {  	[smem:$0x3FAA] =	sst s2  }
0xb: {  	[smem:$0x3FAB] =	sst s3  }
0xc: {  	[smem:$0x3FAC] =	sst s4  }
0xd: {  	[smem:$0x3FAD] =	sst s5  }
0xe: {  	[smem:$0x3FAE] =	sst s6  }
0xf: {  	[smem:$0x3FAF] =	sst s7  }
0x10: {  	[smem:$0x3FB0] =	sst s8  }
0x11: {  	[smem:$0x3FB1] =	sst s9;
	s0 =	simm.s32 @!p0 $0x0  }
0x12: {  	s1 =	sld [smem:$0x3F97];
	s0 =	simm.s32 @p0 $0x1  }
0x13: {  	[smem:$0x3FB2] =	sst s0;
	s0 =	simm.s32 @!p1 $0x0  }
0x14: {  	s2 =	sld [smem:$0x3F96];
	s0 =	simm.s32 @p1 $0x1  }
0x15: {  	[smem:$0x3FB3] =	sst s0;
	s0 =	simm.s32 @!p2 $0x0  }
0x16: {  	s3 =	sld [smem:$0x3FDB];
	s0 =	simm.s32 @p2 $0x1  }
0x17: {  	s4 =	simm.s32 $0x1BF5;
	[smem:$0x3FB5] =	sst s0  }
0x18: {  	s0 =	sld [smem:$0x3F98];
	_ =	swait.ge [sflag:s4], $0x0  }
0x19: {  	s7 =	sld [smem:$0x3F99]  }
0x1a: {  	s8 =	sadd.s32 $0xFFFFE003, lr  }
0x1b: {  	s9 =	sadd.s32 $0xFFFFFEF7, lr;
	s5 =	simm.s32 $0xFFFFFFFF;
	p2 =	slt.u32 s8, $0xFFFFF086  }
0x1c: {  	p1 =	slt.u32 s9, $0xF7A;
	s5 =	simm.s32 @!p2 $0x0  }
0x1d: {  	s5 =	simm.s32 @p1 $0x1;
	p0 =	seq.s32 s7, s2  }
0x1e: {  	s7 =	smul.u32 @!p0 $0xF7A, s2;
	p2 =	seq.s32 @!p0 s5, $0x0  }
0x1f: {  	s9 =	smul.u32 $0xF7A, s1;
	s8 =	simm.s32 @!p0 $0x1BF5;
	p2 =	por !p2, p0  }
0x20: {  	[sflag:s8] =	ssyncset.s32 @!p0 $0xFFFFF086;
	s6 =	sadd.s32 @!p0 s3, s7;
	s7 =	simm.s32 @!p0 $0x108  }
0x21: {  	s3 =	sadd.s32 s3, s9;
	s6 =	sadd.s32 @!p0 $0x88, s6;
	s7 =	simm.s32 @p2 $0x1082  }
0x22: {  	[simem:s7], [sflag:s8] =	dma.local @!p0 [hbm:s6], $0xF7A  }
0x23: {  	s9 =	sor.u32 $0xD0000000, s2;
	s6 =	simm.s32 $0x108;
	_ =	swait.ge @!p0 [sflag:s8], $0x0  }
0x24: {  	s3 =	sadd.s32 $0x88, s3;
	s6 =	simm.s32 @!p1 $0x1082;
	[sflag:s4] =	ssyncset.s32 $0xFFFFF086  }
0x25: {  	[simem:s6], [sflag:s4] =	dma.local [hbm:s3], $0xF7A  }
0x26: {  	[smem:$0x3F99] =	sst s1;
	(tag) =	ssettag s2;
	_ =	strace s9  }
0x27: {  	s1 =	sld [smem:$0x3FA9]  }
0x28: {  	s2 =	sld [smem:$0x3FAA]  }
0x29: {  	s4 =	sld [smem:$0x3FAC]  }
0x2a: {  	p0 =	seq.s32 s5, $0x0;
	s5 =	sld [smem:$0x3FAD]  }
0x2b: {  	s6 =	sld [smem:$0x3FAE]  }
0x2c: {  	s7 =	sld [smem:$0x3FAF]  }
0x2d: {  	s3 =	simm.s32 $0x108;
	s8 =	sld [smem:$0x3FB0]  }
0x2e: {  	s3 =	simm.s32 @!p0 $0x1082;
	s9 =	sld [smem:$0x3FB1]  }
0x2f: {  	lr =	sadd.s32 s0, s3;
	s0 =	sld [smem:$0x3FA8]  }
0x30: {  	s3 =	sld [smem:$0x3FAB]  }
0x31: {  	[smem:$0x3FB4] =	sst s10  }
0x32: {  	s10 =	sld [smem:$0x3FB2];
	_ =	sdelay $0x3  }
0x33: {  	p0 =	seq.s32 s10, $0x1;
	s10 =	sld [smem:$0x3FB4];
	_ =	sdelay $0x3  }
0x34: {  	[smem:$0x3FB4] =	sst s10  }
0x35: {  	s10 =	sld [smem:$0x3FB3];
	_ =	sdelay $0x3  }
0x36: {  	p1 =	seq.s32 s10, $0x1;
	s10 =	sld [smem:$0x3FB4];
	_ =	sdelay $0x3  }
0x37: {  	[smem:$0x3FB4] =	sst s10  }
0x38: {  	s10 =	sld [smem:$0x3FB5]  }
0x39: {  	_ = 	snop;
	(pc) =	sbr.ind lr, $3  }
0x3a: {  	_ = 	snop  }
0x3b: {  	_ = 	snop  }
0x3c: {  	p2 =	seq.s32 s10, $0x1;
	s10 =	sld [smem:$0x3FB4]  }
0x3d: {  	_ =	shalt  }
0x3e: {  	_ =	shalt  }
0x3f: {  	_ =	shalt  }
0x40: {  	_ =	shalt  }
0x41: {  	_ =	shalt  }
0x42: {  	_ =	shalt  }
0x43: {  	_ =	shalt  }
0x44: {  	_ =	shalt  }
0x45: {  	_ =	shalt  }
0x46: {  	_ =	shalt  }
0x47: {  	_ =	shalt  }
0x48: {  	_ =	shalt  }
0x49: {  	_ =	shalt  }
0x4a: {  	_ =	shalt  }
0x4b: {  	_ =	shalt  }
0x4c: {  	_ =	shalt  }
0x4d: {  	_ =	shalt  }
0x4e: {  	_ =	shalt  }
0x4f: {  	_ =	shalt  }
0x50: {  	_ =	shalt  }
0x51: {  	_ =	shalt  }
0x52: {  	_ =	shalt  }
0x53: {  	_ =	shalt  }
0x54: {  	_ =	shalt  }
0x55: {  	_ =	shalt  }
0x56: {  	_ =	shalt  }
0x57: {  	_ =	shalt  }
0x58: {  	_ =	shalt  }
0x59: {  	_ =	shalt  }
0x5a: {  	_ =	shalt  }
0x5b: {  	_ =	shalt  }
0x5c: {  	_ =	shalt  }
0x5d: {  	_ =	shalt  }
0x5e: {  	_ =	shalt  }
0x5f: {  	_ =	shalt  }
0x60: {  	_ =	shalt  }
0x61: {  	_ =	shalt  }
0x62: {  	_ =	shalt  }
0x63: {  	_ =	shalt  }
0x64: {  	_ =	shalt  }
0x65: {  	_ =	shalt  }
0x66: {  	_ =	shalt  }
0x67: {  	_ =	shalt  }
0x68: {  	_ =	shalt  }
0x69: {  	_ =	shalt  }
0x6a: {  	_ =	shalt  }
0x6b: {  	_ =	shalt  }
0x6c: {  	_ =	shalt  }
0x6d: {  	_ =	shalt  }
0x6e: {  	_ =	shalt  }
0x6f: {  	_ =	shalt  }
0x70: {  	_ =	shalt  }
0x71: {  	_ =	shalt  }
0x72: {  	_ =	shalt  }
0x73: {  	_ =	shalt  }
0x74: {  	_ =	shalt  }
0x75: {  	_ =	shalt  }
0x76: {  	_ =	shalt  }
0x77: {  	_ =	shalt  }
0x78: {  	_ =	shalt  }
0x79: {  	_ =	shalt  }
0x7a: {  	_ =	shalt  }
0x7b: {  	_ =	shalt  }
0x7c: {  	_ =	shalt  }
0x7d: {  	_ =	shalt  }
0x7e: {  	_ =	shalt  }
0x7f: {  	_ =	shalt  }
0x80: {  	_ =	shalt  }
0x81: {  	_ =	shalt  }
0x82: {  	_ =	shalt  }
0x83: {  	_ =	shalt  }
0x84: {  	_ =	shalt  }
0x85: {  	_ =	shalt  }
0x86: {  	_ =	shalt  }
0x87: {  	_ =	shalt  }
.Lfunc_end0:
.L_simem_size_0:
called_computation_lowered:
.L_overlay_start_0:
0x88: {  	s2 =	sld [smem:$0x3FD9]  }
0x89: {  	s3 =	sld [smem:$0x3FFE];
	_ =	sdelay $0x1  }
0x8a: {  	s1 =	srdreg.scid  }
0x8b: {  	s0 =	sand.u32 $0x1, s1  }
0x8c: {  	s16 =	sshll.u32 s0, $0xA;
	s2 =	sadd.s32 s3, s2  }
0x8d: {  	s2 =	sadd.s32 s2, s16  }
0x8e: {  	[smem:$0x3FC0] =	sst s2  }
0x8f: {  	_ = 	snop  }
0x90: {  	(tm) =	ssettm $0x1  }
0x91: {  	s17 =	sld [smem:$0x3FFB];
	_ =	sdelay $0x3  }
0x92: {  	_ =	strace s17  }
0x93: {  	s2 =	sld [smem:$0x3FFC];
	_ =	sdelay $0x3  }
0x94: {  	_ =	strace s2  }
0x95: {  	s2 =	sld [smem:$0x3FFD];
	_ =	sdelay $0x3  }
0x96: {  	_ =	strace s2  }
0x97: {  	_ =	strace $0x8FFFFFFF  }
0x98: {  	s18 =	sld [smem:$0x3FDB];
	_ =	sdelay $0x1  }
0x99: {  	s19 =	simm.s32 $_scs_section_size  }
0x9a: {  	s4 =	simm.s32 $_size__tile_overlayer_lowered;
	s5 =	simm.s32 $_tile_overlayer_lowered  }
0x9b: {  	s22 =	simm.s32 $0x1BFF;
	s21 =	sshll.u32 s5, $0x1;
	s2 =	sadd.s32 s19, s18  }
0x9c: {  	s6 =	simm.s32 $0x0;
	s20 =	sshll.u32 s4, $0x1;
	s4 =	sadd.s32 s21, s2  }
0x9d: {  	[timem:s6], [sflag:s22] =	dma.local [hbm:s4], s20  }
0x9e: {  	_ =	swait.ge [sflag:s22], s20  }
0x9f: {  	s3 =	ssub.s32 $0x0, s20;
	[sflag:s22] =	ssyncset.done $0x0  }
0xa0: {  	[sflag:s22] =	ssyncadd.s32 s3;
	_ =	sdelay $0x1  }
0xa1: {  	s23 =	simm.s32 $0x1B8B  }
0xa2: {  	_ =	swait.ge [sflag:s23], $0x1  }
0xa3: {  	[sflag:s23] =	ssyncset.done $0x0  }
0xa4: {  	s25 =	simm.s32 $0x1B8E;
	s24 =	sld [smem:$0x3FFE];
	[sflag:s23] =	ssyncadd.s32 $0xFFFFFFFF  }
0xa5: {  	s26 =	simm.s32 $execute0_lowered;
	[smem:$0x3FD2] =	sst s25  }
0xa6: {  	s4 =	sshll.u32 s26, $0x1;
	_ =	strace $0x80000046;
	[dreg:$0x1] =	wrdreg $0xFFFFFFFF  }
0xa7: {  	s28 =	simm.s32 $_size_execute0_lowered;
	s2 =	sadd.s32 s2, s4;
	[dreg:$0x0] =	wrdreg $0x0  }
0xa8: {  	s4 =	sshll.u32 s28, $0x1;
	[dreg:$0x2] =	wrdreg s2  }
0xa9: {  	[dreg:$0x3] =	wrdreg s4  }
0xaa: {  	[dreg:$0x4] =	wrdreg $0xC0  }
0xab: {  	_ =	task [dreg:s6], $0x5FFFF  }
0xac: {  	[dreg:$0x1] =	wrdreg $0xFFFFFFFF  }
0xad: {  	[dreg:$0x0] =	wrdreg $0x60  }
0xae: {  	[dreg:$0x2] =	wrdreg s24  }
0xaf: {  	[dreg:$0x3] =	wrdreg $0x9  }
0xb0: {  	_ =	task.clear_ibuf [dreg:s6], $0x4FFFF;
	_ =	strace $0x90000046  }
0xb1: {  	s29 =	simm.s32 $0x9;
	_ =	strace $0x80000048  }
0xb2: {  	_ =	swait.ge [sflag:s29], $0x1  }
0xb3: {  	[sflag:s29] =	ssyncadd.s32 $0xFFFFFFFF  }
0xb4: {  	_ =	strace $0x90000048  }
0xb5: {  	_ =	sfence  }
0xb6: {  	s30 =	sld [smem:$0x0];
	_ =	sdelay $0x2  }
0xb7: {  	s31 =	sshll.u32 s1, $0xD;
	s1 =	sshrl.u32 s1, $0x2  }
0xb8: {  	s3 =	sand.u32 $0x4000, s31;
	s1 =	sadd.s32 s1, s30  }
0xb9: {  	s0 =	sor.u32 s3, s0;
	s1 =	sshll.u32 s1, $0x11  }
0xba: {  	s0 =	sor.u32 s1, s0  }
0xbb: {  	s0 =	sadd.s32 $0x8F2B, s0  }
0xbc: {  	[sflag:s0] =	ssyncadd.remote.s32 $0x1  }
0xbd: {  	_ =	sfence.sel $0xFFFF  }
0xbe: {  	[dreg:$0x0] =	wrdreg $0xFFFFFFFF;
	(pc) =	sbr.abs _section_cstart, $3  }
0xbf: {  	[dreg:$0x1] =	wrdreg $0xFFFFFFFF  }
0xc0: {  	_ =	task.clear_ibuf [dreg:s6], $0x2FFFF;
	_ =	strace $0x9FFFFFFF  }
0xc1: {  	(tm) =	ssettm $0x7FFFFFFF  }
tec
execute0_lowered:
.L_overlay_start_1:
0x0: {  	(tag) =	ssettag $0x1  }
0x1: {  	s1 =	srdreg.scid  }
0x2: {  	s0 =	stileid.u32;
	s4 =	rddreg [dreg:$0x0];
	s2 =	simm.s32 $0x0  }
0x3: {  	s9 =	simm.s32 $0x6400;
	s10 =	simm.s32 $0x48;
	s11 =	simm.s32 $0xA400  }
0x4: {  	s12 =	simm.s32 $0xC8;
	s13 =	simm.s32 $0xC800;
	s14 =	simm.s32 $0x148  }
0x5: {  	s15 =	simm.s32 $0x10800;
	s16 =	simm.s32 $0x1;
	s17 =	simm.s32 $0x2  }
0x6: {  	s18 =	simm.s32 $0x12C00;
	s3 =	sand.u32 $0x1, s1;
	s5 =	sshll.u32 s0, $0x1  }
0x7: {  	s19 =	simm.s32 $0x0;
	s1 =	rddreg [dreg:$0x1];
	s5 =	sor.u32 s3, s5  }
0x8: {  	[smem:$0x7FF] =	sst s2;
	s7 =	ssub.s32 $0x2, s3;
	s6 =	smul.u32 $0xC80, s5  }
0x9: {  	_ =	strace $0x80000047;
	s5 =	smul.u32 $0x320, s5;
	s8 =	sshrl.u32 s7, $0x1  }
0xa: {  	s3 =	sadd.s32 $0xF5C600, s4;
	s7 =	ssub.s32 s7, s8;
	s6 =	sadd.s32 s6, s4  }
0xb: {  	s8 =	simm.s32 $0x80;
	s5 =	sadd.s32 s5, s4;
	s4 =	sadd.s32 $0xF43600, s6  }
0xc: {  	s5 =	sadd.s32 $0x1200, s5;
	s6 =	smax.u32 s7, $0x1;
	s7 =	simm.s32 $0x3  }
.LBB2_1:
0xd: {  	[tilespmem:s2], [sflag:$0x3] =	stream.linear.gather [hbm4b:s4+s2], $0x6400, $0x38;
	[tilespmem:$0x14500] =	vst v63  }
0xe: {  	_ =	swait.ge [sflag:s7], $0x6400  }
0xf: {  	[sflag:s7] =	ssyncset.done $0x0  }
0x10: {  	[sflag:s7] =	ssyncadd.s32 $0xFFFF9C00  }
0x11: {  	[tilespmem:s9], [sflag:$0x1] =	stream.indirect.gather [hbm4b:s3+s8], $0x80, s2, s8, $0xb8;
	[tilespmem:$0x14500] =	vst v63  }
0x12: {  	_ = 	snop  }
0x13: {  	[tilespmem:s11], [sflag:$0x1] =	stream.indirect.gather [hbm4b:s3+s10], $0x80, s8, s10, $0xb8;
	[tilespmem:$0x14500] =	vst v63  }
0x14: {  	_ = 	snop  }
0x15: {  	[tilespmem:s13], [sflag:$0x2] =	stream.indirect.gather [hbm4b:s3+s8], $0x80, s12, s8, $0xb8;
	[tilespmem:$0x14500] =	vst v63  }
0x16: {  	s20 =	simm.s32 $0x0  }
0x17: {  	[tilespmem:s15], [sflag:$0x2] =	stream.indirect.gather [hbm4b:s3+s10], $0x80, s14, s10, $0xb8;
	[tilespmem:$0x14500] =	vst v63  }
.LBB2_2:
0x18: {  	_ =	swait.ge [sflag:s16], $0x4000  }
0x19: {  	[sflag:s16] =	ssyncset.done $0x0  }
0x1a: {  	[sflag:s16] =	ssyncadd.s32 $0xFFFFC000  }
0x1b: {  	_ =	swait.ge [sflag:s16], $0x2400  }
0x1c: {  	[sflag:s16] =	ssyncset.done $0x0  }
0x1d: {  	s21 =	simm.s32 $0x6500;
	[sflag:s16] =	ssyncadd.s32 $0xFFFFDC00  }
0x1e: {  	v0 =	vld [tilespmem:s21+$0x80]  }
0x1f: {  	v1 =	vld [tilespmem:s21+$0x90]  }
0x20: {  	v2 =	vld [tilespmem:s21+$0x0]  }
0x21: {  	v6 =	vld [tilespmem:s21+$0x10]  }
0x22: {  	v3 =	vld [tilespmem:s21+$0xFFFFFF80]  }
0x23: {  	v4 =	vld [tilespmem:s21+$0xFFFFFF90]  }
0x24: {  	v5 =	vld [tilespmem:s21+$0xFFFFFF00]  }
0x25: {  	v7 =	vld [tilespmem:s21+$0xFFFFFF10]  }
0x26: {  	v9 =	vld [tilespmem:s21+$0xFFFFFF20]  }
0x27: {  	v12 =	vld [tilespmem:s21+$0xFFFFFF22]  }
0x28: {  	v11 =	vld [tilespmem:s21+$0xFFFFFFA0]  }
0x29: {  	v13 =	vld [tilespmem:s21+$0xFFFFFFA2]  }
0x2a: {  	v15 =	vimm.f32 $0.0e+00;
	v8 =	vld [tilespmem:s21+$0x20]  }
0x2b: {  	v10 =	vld [tilespmem:s21+$0x22];
	v5 =	vadd.f32 v5, v15;
	v7 =	vadd.f32 v7, v15  }
0x2c: {  	v14 =	vadd.f32 v9, v15;
	v15 =	vadd.f32 v12, v15;
	v9 =	vld [tilespmem:s21+$0xA0]  }
0x2d: {  	s22 =	simm.s32 $0x0;
	s23 =	simm.s32 $0x6700;
	v12 =	vld [tilespmem:s21+$0xA2];
	v16 =	vadd.f32 v3, v5;
	v17 =	vadd.f32 v4, v7  }
.LBB2_3:
0x2e: {  	v3 =	vld [tilespmem:s23+$0x80];
	v4 =	vadd.f32 v11, v14;
	v5 =	vadd.f32 v13, v15  }
0x2f: {  	v7 =	vld [tilespmem:s23+$0x90];
	v11 =	vadd.f32 v2, v16;
	v13 =	vadd.f32 v6, v17  }
0x30: {  	v2 =	vld [tilespmem:s23+$0x0];
	v4 =	vadd.f32 v8, v4;
	v5 =	vadd.f32 v10, v5  }
0x31: {  	v6 =	vld [tilespmem:s23+$0x10];
	v10 =	vadd.f32 v0, v11;
	v14 =	vadd.f32 v1, v13  }
0x32: {  	s21 =	simm.s32 $0xA500;
	v16 =	vld [tilespmem:s23+$0xFFFFFF80];
	v4 =	vadd.f32 v9, v4;
	v5 =	vadd.f32 v12, v5  }
0x33: {  	v12 =	vld [tilespmem:s23+$0xFFFFFF90];
	v0 =	vmov v3  }
0x34: {  	v3 =	vld [tilespmem:s23+$0xFFFFFF00];
	v1 =	vmov v7  }
0x35: {  	v7 =	vld [tilespmem:s23+$0xFFFFFF10]  }
0x36: {  	v9 =	vld [tilespmem:s23+$0xFFFFFF20]  }
0x37: {  	s22 =	sadd.s32 $0x4, s22;
	v15 =	vld [tilespmem:s23+$0xFFFFFF22]  }
0x38: {  	p0 =	slt.u32 s22, $0x7C;
	v11 =	vld [tilespmem:s23+$0xFFFFFFA0]  }
.Ltmp0:
0x39: {  	v13 =	vld [tilespmem:s23+$0xFFFFFFA2];
	(pc) =	sbr.rel @p0 .LBB2_3-.Ltmp0, $4  }
0x3a: {  	v8 =	vld [tilespmem:s23+$0x20]  }
0x3b: {  	v3 =	vadd.f32 v3, v10;
	v7 =	vadd.f32 v7, v14;
	v10 =	vld [tilespmem:s23+$0x22]  }
0x3c: {  	v14 =	vadd.f32 v9, v4;
	v15 =	vadd.f32 v15, v5;
	v9 =	vld [tilespmem:s23+$0xA0]  }
0x3d: {  	v16 =	vadd.f32 v16, v3;
	v17 =	vadd.f32 v12, v7;
	v12 =	vld [tilespmem:s23+$0xA2];
	s23 =	sadd.s32 $0x200, s23  }
0x3e: {  	v3 =	vld [tilespmem:s21+$0x80]  }
0x3f: {  	v4 =	vld [tilespmem:s21+$0x90]  }
0x40: {  	v5 =	vld [tilespmem:s21+$0x0]  }
0x41: {  	v7 =	vld [tilespmem:s21+$0x10]  }
0x42: {  	v18 =	vld [tilespmem:s21+$0xFFFFFF80]  }
0x43: {  	v19 =	vld [tilespmem:s21+$0xFFFFFF90]  }
0x44: {  	v20 =	vld [tilespmem:s21+$0xFFFFFF00]  }
0x45: {  	v21 =	vld [tilespmem:s21+$0xFFFFFF10]  }
0x46: {  	v11 =	vadd.f32 v11, v14;
	v13 =	vadd.f32 v13, v15;
	v14 =	vld [tilespmem:s21+$0xFFFFFF20]  }
0x47: {  	v63 =	vld [tilespmem:s21+$0xFFFFFF22];
	v15 =	vadd.f32 v2, v16;
	v6 =	vadd.f32 v6, v17  }
0x48: {  	v2 =	vld [tilespmem:s21+$0xFFFFFFA0];
	v8 =	vadd.f32 v8, v11;
	v10 =	vadd.f32 v10, v13  }
0x49: {  	v11 =	vadd.f32 v0, v15;
	v1 =	vadd.f32 v1, v6;
	v6 =	vld [tilespmem:s21+$0xFFFFFFA2]  }
0x4a: {  	v0 =	vld [tilespmem:s21+$0x20];
	v9 =	vadd.f32 v9, v8;
	v10 =	vadd.f32 v12, v10  }
0x4b: {  	v8 =	vld [tilespmem:s21+$0x22];
	v12 =	vadd.f32 v20, v11;
	v15 =	vadd.f32 v21, v1  }
0x4c: {  	v1 =	vld [tilespmem:s21+$0xA0];
	v11 =	vadd.f32 v14, v9;
	v10 =	vadd.f32 v63, v10  }
0x4d: {  	s22 =	simm.s32 $0x0;
	v9 =	vld [tilespmem:s21+$0xA2];
	s21 =	simm.s32 $0xA700;
	v13 =	vadd.f32 v18, v12;
	v12 =	vadd.f32 v19, v15  }
.LBB2_5:
0x4e: {  	v14 =	vld [tilespmem:s21+$0x80];
	v2 =	vadd.f32 v2, v11;
	v6 =	vadd.f32 v6, v10  }
0x4f: {  	v10 =	vld [tilespmem:s21+$0x90];
	v11 =	vadd.f32 v5, v13;
	v12 =	vadd.f32 v7, v12  }
0x50: {  	v5 =	vld [tilespmem:s21+$0x0];
	v0 =	vadd.f32 v0, v2;
	v2 =	vadd.f32 v8, v6  }
0x51: {  	v7 =	vld [tilespmem:s21+$0x10];
	v8 =	vadd.f32 v3, v11;
	v11 =	vadd.f32 v4, v12  }
0x52: {  	v12 =	vld [tilespmem:s21+$0xFFFFFF80];
	v1 =	vadd.f32 v1, v0;
	v9 =	vadd.f32 v9, v2  }
0x53: {  	v15 =	vld [tilespmem:s21+$0xFFFFFF90];
	v3 =	vmov v14  }
0x54: {  	v13 =	vld [tilespmem:s21+$0xFFFFFF00];
	v4 =	vmov v10  }
0x55: {  	v10 =	vld [tilespmem:s21+$0xFFFFFF10]  }
0x56: {  	v14 =	vld [tilespmem:s21+$0xFFFFFF20]  }
0x57: {  	s22 =	sadd.s32 $0x4, s22;
	v16 =	vld [tilespmem:s21+$0xFFFFFF22]  }
0x58: {  	p0 =	slt.u32 s22, $0x44;
	v2 =	vld [tilespmem:s21+$0xFFFFFFA0]  }
.Ltmp1:
0x59: {  	v6 =	vld [tilespmem:s21+$0xFFFFFFA2];
	(pc) =	sbr.rel @p0 .LBB2_5-.Ltmp1, $4  }
0x5a: {  	v0 =	vld [tilespmem:s21+$0x20]  }
0x5b: {  	v13 =	vadd.f32 v13, v8;
	v17 =	vadd.f32 v10, v11;
	v8 =	vld [tilespmem:s21+$0x22]  }
0x5c: {  	v11 =	vadd.f32 v14, v1;
	v10 =	vadd.f32 v16, v9;
	v1 =	vld [tilespmem:s21+$0xA0]  }
0x5d: {  	v13 =	vadd.f32 v12, v13;
	v12 =	vadd.f32 v15, v17;
	v9 =	vld [tilespmem:s21+$0xA2];
	s21 =	sadd.s32 $0x200, s21  }
0x5e: {  	_ = 	snop  }
0x5f: {  	v2 =	vadd.f32 v2, v11;
	v5 =	vadd.f32 v5, v13  }
0x60: {  	v6 =	vadd.f32 v6, v10;
	v7 =	vadd.f32 v7, v12  }
0x61: {  	v0 =	vadd.f32 v0, v2;
	v2 =	vadd.f32 v3, v5  }
0x62: {  	v3 =	vadd.f32 v8, v6;
	v4 =	vadd.f32 v4, v7  }
0x63: {  	s21 =	smul.u32 $0x64, s20;
	v0 =	vadd.f32 v1, v0;
	v1 =	vmul.f32 $4.999999890e-03, v2  }
0x64: {  	v2 =	vadd.f32 v9, v3;
	v3 =	vmul.f32 $4.999999890e-03, v4  }
0x65: {  	s23 =	smul.u32 $0x640, s20;
	s22 =	sand.u32 $0x1FFC, s21;
	v0 =	vmul.f32 $4.999999890e-03, v0;
	[tilespmem:s21+$0x12C00] =	vst v1  }
0x66: {  	v1 =	vmul.f32 $4.999999890e-03, v2;
	[tilespmem:s22+$0x12C10] =	vst v3  }
0x67: {  	[tilespmem:s22+$0x12C20] =	vst v0;
	s22 =	sshra.s32 s23, $0x2  }
0x68: {  	[tilespmem:s21+$0x12C22] =	vst v1;
	s23 =	sadd.s32 $0x190, s22  }
0x69: {  	[tilespmem:s9], [sflag:$0x1] =	stream.indirect.gather [hbm4b:s3+s8], $0x80, s23, s8, $0xb8;
	[tilespmem:$0x14500] =	vst v63  }
0x6a: {  	s30 =	sadd.s32 $0x210, s22  }
0x6b: {  	[tilespmem:s11], [sflag:$0x1] =	stream.indirect.gather [hbm4b:s3+s10], $0x80, s30, s10, $0xb8;
	[tilespmem:$0x14500] =	vst v63  }
0x6c: {  	_ =	swait.ge [sflag:s17], $0x4000  }
0x6d: {  	[sflag:s17] =	ssyncset.done $0x0  }
0x6e: {  	[sflag:s17] =	ssyncadd.s32 $0xFFFFC000  }
0x6f: {  	_ =	swait.ge [sflag:s17], $0x2400  }
0x70: {  	[sflag:s17] =	ssyncset.done $0x0  }
0x71: {  	s31 =	simm.s32 $0xC900;
	[sflag:s17] =	ssyncadd.s32 $0xFFFFDC00  }
0x72: {  	v0 =	vld [tilespmem:s31+$0x80]  }
0x73: {  	v1 =	vld [tilespmem:s31+$0x90]  }
0x74: {  	v2 =	vld [tilespmem:s31+$0x0]  }
0x75: {  	v6 =	vld [tilespmem:s31+$0x10]  }
0x76: {  	v3 =	vld [tilespmem:s31+$0xFFFFFF80]  }
0x77: {  	v4 =	vld [tilespmem:s31+$0xFFFFFF90]  }
0x78: {  	v5 =	vld [tilespmem:s31+$0xFFFFFF00]  }
0x79: {  	v7 =	vld [tilespmem:s31+$0xFFFFFF10]  }
0x7a: {  	v9 =	vld [tilespmem:s31+$0xFFFFFF20]  }
0x7b: {  	v12 =	vld [tilespmem:s31+$0xFFFFFF22]  }
0x7c: {  	v11 =	vld [tilespmem:s31+$0xFFFFFFA0]  }
0x7d: {  	v13 =	vld [tilespmem:s31+$0xFFFFFFA2]  }
0x7e: {  	v15 =	vimm.f32 $0.0e+00;
	v8 =	vld [tilespmem:s31+$0x20]  }
0x7f: {  	v10 =	vld [tilespmem:s31+$0x22];
	v5 =	vadd.f32 v5, v15;
	v7 =	vadd.f32 v7, v15  }
0x80: {  	v14 =	vadd.f32 v9, v15;
	v15 =	vadd.f32 v12, v15;
	v9 =	vld [tilespmem:s31+$0xA0]  }
0x81: {  	s24 =	simm.s32 $0x0;
	s25 =	simm.s32 $0xCB00;
	v12 =	vld [tilespmem:s31+$0xA2];
	v16 =	vadd.f32 v3, v5;
	v17 =	vadd.f32 v4, v7  }
.LBB2_7:
0x82: {  	v3 =	vld [tilespmem:s25+$0x80];
	v4 =	vadd.f32 v11, v14;
	v5 =	vadd.f32 v13, v15  }
0x83: {  	v7 =	vld [tilespmem:s25+$0x90];
	v11 =	vadd.f32 v2, v16;
	v13 =	vadd.f32 v6, v17  }
0x84: {  	v2 =	vld [tilespmem:s25+$0x0];
	v4 =	vadd.f32 v8, v4;
	v5 =	vadd.f32 v10, v5  }
0x85: {  	v6 =	vld [tilespmem:s25+$0x10];
	v10 =	vadd.f32 v0, v11;
	v14 =	vadd.f32 v1, v13  }
0x86: {  	s23 =	simm.s32 $0x10900;
	v16 =	vld [tilespmem:s25+$0xFFFFFF80];
	v4 =	vadd.f32 v9, v4;
	v5 =	vadd.f32 v12, v5  }
0x87: {  	v12 =	vld [tilespmem:s25+$0xFFFFFF90];
	v0 =	vmov v3  }
0x88: {  	v3 =	vld [tilespmem:s25+$0xFFFFFF00];
	v1 =	vmov v7  }
0x89: {  	v7 =	vld [tilespmem:s25+$0xFFFFFF10]  }
0x8a: {  	v9 =	vld [tilespmem:s25+$0xFFFFFF20]  }
0x8b: {  	s24 =	sadd.s32 $0x4, s24;
	v15 =	vld [tilespmem:s25+$0xFFFFFF22]  }
0x8c: {  	p0 =	slt.u32 s24, $0x7C;
	v11 =	vld [tilespmem:s25+$0xFFFFFFA0]  }
.Ltmp2:
0x8d: {  	v13 =	vld [tilespmem:s25+$0xFFFFFFA2];
	(pc) =	sbr.rel @p0 .LBB2_7-.Ltmp2, $4  }
0x8e: {  	v8 =	vld [tilespmem:s25+$0x20]  }
0x8f: {  	v3 =	vadd.f32 v3, v10;
	v7 =	vadd.f32 v7, v14;
	v10 =	vld [tilespmem:s25+$0x22]  }
0x90: {  	v14 =	vadd.f32 v9, v4;
	v15 =	vadd.f32 v15, v5;
	v9 =	vld [tilespmem:s25+$0xA0]  }
0x91: {  	v16 =	vadd.f32 v16, v3;
	v17 =	vadd.f32 v12, v7;
	v12 =	vld [tilespmem:s25+$0xA2];
	s25 =	sadd.s32 $0x200, s25  }
0x92: {  	v3 =	vld [tilespmem:s23+$0x80]  }
0x93: {  	v4 =	vld [tilespmem:s23+$0x90]  }
0x94: {  	v5 =	vld [tilespmem:s23+$0x0]  }
0x95: {  	v7 =	vld [tilespmem:s23+$0x10]  }
0x96: {  	v18 =	vld [tilespmem:s23+$0xFFFFFF80]  }
0x97: {  	v19 =	vld [tilespmem:s23+$0xFFFFFF90]  }
0x98: {  	v20 =	vld [tilespmem:s23+$0xFFFFFF00]  }
0x99: {  	v21 =	vld [tilespmem:s23+$0xFFFFFF10]  }
0x9a: {  	v11 =	vadd.f32 v11, v14;
	v13 =	vadd.f32 v13, v15;
	v14 =	vld [tilespmem:s23+$0xFFFFFF20]  }
0x9b: {  	v63 =	vld [tilespmem:s23+$0xFFFFFF22];
	v15 =	vadd.f32 v2, v16;
	v6 =	vadd.f32 v6, v17  }
0x9c: {  	v2 =	vld [tilespmem:s23+$0xFFFFFFA0];
	v8 =	vadd.f32 v8, v11;
	v10 =	vadd.f32 v10, v13  }
0x9d: {  	v11 =	vadd.f32 v0, v15;
	v1 =	vadd.f32 v1, v6;
	v6 =	vld [tilespmem:s23+$0xFFFFFFA2]  }
0x9e: {  	v0 =	vld [tilespmem:s23+$0x20];
	v9 =	vadd.f32 v9, v8;
	v10 =	vadd.f32 v12, v10  }
0x9f: {  	v8 =	vld [tilespmem:s23+$0x22];
	v12 =	vadd.f32 v20, v11;
	v15 =	vadd.f32 v21, v1  }
0xa0: {  	v1 =	vld [tilespmem:s23+$0xA0];
	v11 =	vadd.f32 v14, v9;
	v10 =	vadd.f32 v63, v10  }
0xa1: {  	s24 =	simm.s32 $0x0;
	v9 =	vld [tilespmem:s23+$0xA2];
	s23 =	simm.s32 $0x10B00;
	v13 =	vadd.f32 v18, v12;
	v12 =	vadd.f32 v19, v15  }
.LBB2_9:
0xa2: {  	v14 =	vld [tilespmem:s23+$0x80];
	v2 =	vadd.f32 v2, v11;
	v6 =	vadd.f32 v6, v10  }
0xa3: {  	v10 =	vld [tilespmem:s23+$0x90];
	v11 =	vadd.f32 v5, v13;
	v12 =	vadd.f32 v7, v12  }
0xa4: {  	v5 =	vld [tilespmem:s23+$0x0];
	v0 =	vadd.f32 v0, v2;
	v2 =	vadd.f32 v8, v6  }
0xa5: {  	v7 =	vld [tilespmem:s23+$0x10];
	v8 =	vadd.f32 v3, v11;
	v11 =	vadd.f32 v4, v12  }
0xa6: {  	v12 =	vld [tilespmem:s23+$0xFFFFFF80];
	v1 =	vadd.f32 v1, v0;
	v9 =	vadd.f32 v9, v2  }
0xa7: {  	v15 =	vld [tilespmem:s23+$0xFFFFFF90];
	v3 =	vmov v14  }
0xa8: {  	v13 =	vld [tilespmem:s23+$0xFFFFFF00];
	v4 =	vmov v10  }
0xa9: {  	v10 =	vld [tilespmem:s23+$0xFFFFFF10]  }
0xaa: {  	v14 =	vld [tilespmem:s23+$0xFFFFFF20]  }
0xab: {  	s24 =	sadd.s32 $0x4, s24;
	v16 =	vld [tilespmem:s23+$0xFFFFFF22]  }
0xac: {  	p0 =	slt.u32 s24, $0x44;
	v2 =	vld [tilespmem:s23+$0xFFFFFFA0]  }
.Ltmp3:
0xad: {  	v6 =	vld [tilespmem:s23+$0xFFFFFFA2];
	(pc) =	sbr.rel @p0 .LBB2_9-.Ltmp3, $4  }
0xae: {  	v0 =	vld [tilespmem:s23+$0x20]  }
0xaf: {  	v13 =	vadd.f32 v13, v8;
	v17 =	vadd.f32 v10, v11;
	v8 =	vld [tilespmem:s23+$0x22]  }
0xb0: {  	v11 =	vadd.f32 v14, v1;
	v10 =	vadd.f32 v16, v9;
	v1 =	vld [tilespmem:s23+$0xA0]  }
0xb1: {  	v13 =	vadd.f32 v12, v13;
	v12 =	vadd.f32 v15, v17;
	v9 =	vld [tilespmem:s23+$0xA2];
	s23 =	sadd.s32 $0x200, s23  }
0xb2: {  	_ = 	snop  }
0xb3: {  	v2 =	vadd.f32 v2, v11;
	v5 =	vadd.f32 v5, v13  }
0xb4: {  	v6 =	vadd.f32 v6, v10;
	v7 =	vadd.f32 v7, v12  }
0xb5: {  	v0 =	vadd.f32 v0, v2;
	v58 =	vadd.f32 v3, v5  }
0xb6: {  	v59 =	vadd.f32 v8, v6;
	v4 =	vadd.f32 v4, v7  }
0xb7: {  	v0 =	vadd.f32 v1, v0;
	v60 =	vmul.f32 $4.999999890e-03, v58  }
0xb8: {  	v61 =	vadd.f32 v9, v59;
	v62 =	vmul.f32 $4.999999890e-03, v4  }
0xb9: {  	s20 =	sadd.s32 $0x1, s20;
	v0 =	vmul.f32 $4.999999890e-03, v0;
	[tilespmem:s21+$0x12C32] =	vst v60  }
0xba: {  	p0 =	sne.s32 s20, $0x3F;
	v63 =	vmul.f32 $4.999999890e-03, v61;
	[tilespmem:s21+$0x12C42] =	vst v62  }
.Ltmp4:
0xbb: {  	[tilespmem:s21+$0x12C52] =	vst v0;
	(pc) =	sbr.rel @p0 .LBB2_2-.Ltmp4, $4  }
0xbc: {  	s30 =	sadd.s32 $0x258, s22;
	[tilespmem:s21+$0x12C54] =	vst v63  }
0xbd: {  	[tilespmem:s13], [sflag:$0x2] =	stream.indirect.gather [hbm4b:s3+s8], $0x80, s30, s8, $0xb8;
	[tilespmem:$0x14500] =	vst v63  }
0xbe: {  	s31 =	sadd.s32 $0x2D8, s22  }
0xbf: {  	[tilespmem:s15], [sflag:$0x2] =	stream.indirect.gather [hbm4b:s3+s10], $0x80, s31, s10, $0xb8;
	[tilespmem:$0x14500] =	vst v63  }
0xc0: {  	_ =	swait.ge [sflag:s16], $0x4000  }
0xc1: {  	[sflag:s16] =	ssyncset.done $0x0  }
0xc2: {  	[sflag:s16] =	ssyncadd.s32 $0xFFFFC000  }
0xc3: {  	_ =	swait.ge [sflag:s16], $0x2400  }
0xc4: {  	[sflag:s16] =	ssyncset.done $0x0  }
0xc5: {  	s21 =	simm.s32 $0x6500;
	[sflag:s16] =	ssyncadd.s32 $0xFFFFDC00  }
0xc6: {  	v0 =	vld [tilespmem:s21+$0x80]  }
0xc7: {  	v1 =	vld [tilespmem:s21+$0x90]  }
0xc8: {  	v2 =	vld [tilespmem:s21+$0x0]  }
0xc9: {  	v6 =	vld [tilespmem:s21+$0x10]  }
0xca: {  	v3 =	vld [tilespmem:s21+$0xFFFFFF80]  }
0xcb: {  	v4 =	vld [tilespmem:s21+$0xFFFFFF90]  }
0xcc: {  	v5 =	vld [tilespmem:s21+$0xFFFFFF00]  }
0xcd: {  	v7 =	vld [tilespmem:s21+$0xFFFFFF10]  }
0xce: {  	v9 =	vld [tilespmem:s21+$0xFFFFFF20]  }
0xcf: {  	v12 =	vld [tilespmem:s21+$0xFFFFFF22]  }
0xd0: {  	v11 =	vld [tilespmem:s21+$0xFFFFFFA0]  }
0xd1: {  	v13 =	vld [tilespmem:s21+$0xFFFFFFA2]  }
0xd2: {  	v15 =	vimm.f32 $0.0e+00;
	v8 =	vld [tilespmem:s21+$0x20]  }
0xd3: {  	v10 =	vld [tilespmem:s21+$0x22];
	v5 =	vadd.f32 v5, v15;
	v7 =	vadd.f32 v7, v15  }
0xd4: {  	v14 =	vadd.f32 v9, v15;
	v15 =	vadd.f32 v12, v15;
	v9 =	vld [tilespmem:s21+$0xA0]  }
0xd5: {  	s20 =	simm.s32 $0x0;
	v12 =	vld [tilespmem:s21+$0xA2];
	s21 =	simm.s32 $0x6700;
	v16 =	vadd.f32 v3, v5;
	v17 =	vadd.f32 v4, v7  }
.LBB2_12:
0xd6: {  	v3 =	vld [tilespmem:s21+$0x80];
	v4 =	vadd.f32 v11, v14;
	v5 =	vadd.f32 v13, v15  }
0xd7: {  	v7 =	vld [tilespmem:s21+$0x90];
	v11 =	vadd.f32 v2, v16;
	v13 =	vadd.f32 v6, v17  }
0xd8: {  	v2 =	vld [tilespmem:s21+$0x0];
	v4 =	vadd.f32 v8, v4;
	v5 =	vadd.f32 v10, v5  }
0xd9: {  	v6 =	vld [tilespmem:s21+$0x10];
	v10 =	vadd.f32 v0, v11;
	v14 =	vadd.f32 v1, v13  }
0xda: {  	v16 =	vld [tilespmem:s21+$0xFFFFFF80];
	v4 =	vadd.f32 v9, v4;
	v5 =	vadd.f32 v12, v5  }
0xdb: {  	v12 =	vld [tilespmem:s21+$0xFFFFFF90];
	v0 =	vmov v3  }
0xdc: {  	v3 =	vld [tilespmem:s21+$0xFFFFFF00];
	v1 =	vmov v7  }
0xdd: {  	v7 =	vld [tilespmem:s21+$0xFFFFFF10]  }
0xde: {  	v9 =	vld [tilespmem:s21+$0xFFFFFF20]  }
0xdf: {  	s20 =	sadd.s32 $0x4, s20;
	v15 =	vld [tilespmem:s21+$0xFFFFFF22]  }
0xe0: {  	p0 =	slt.u32 s20, $0x7C;
	v11 =	vld [tilespmem:s21+$0xFFFFFFA0]  }
.Ltmp5:
0xe1: {  	v13 =	vld [tilespmem:s21+$0xFFFFFFA2];
	(pc) =	sbr.rel @p0 .LBB2_12-.Ltmp5, $4  }
0xe2: {  	v8 =	vld [tilespmem:s21+$0x20]  }
0xe3: {  	v3 =	vadd.f32 v3, v10;
	v7 =	vadd.f32 v7, v14;
	v10 =	vld [tilespmem:s21+$0x22]  }
0xe4: {  	v14 =	vadd.f32 v9, v4;
	v15 =	vadd.f32 v15, v5;
	v9 =	vld [tilespmem:s21+$0xA0]  }
0xe5: {  	v16 =	vadd.f32 v16, v3;
	v17 =	vadd.f32 v12, v7;
	v12 =	vld [tilespmem:s21+$0xA2];
	s21 =	sadd.s32 $0x200, s21  }
0xe6: {  	s21 =	simm.s32 $0xA500  }
0xe7: {  	v3 =	vld [tilespmem:s21+$0x80]  }
0xe8: {  	v4 =	vld [tilespmem:s21+$0x90]  }
0xe9: {  	v5 =	vld [tilespmem:s21+$0x0]  }
0xea: {  	v7 =	vld [tilespmem:s21+$0x10]  }
0xeb: {  	v18 =	vld [tilespmem:s21+$0xFFFFFF80]  }
0xec: {  	v19 =	vld [tilespmem:s21+$0xFFFFFF90]  }
0xed: {  	v20 =	vld [tilespmem:s21+$0xFFFFFF00]  }
0xee: {  	v21 =	vld [tilespmem:s21+$0xFFFFFF10]  }
0xef: {  	v11 =	vadd.f32 v11, v14;
	v13 =	vadd.f32 v13, v15;
	v14 =	vld [tilespmem:s21+$0xFFFFFF20]  }
0xf0: {  	v15 =	vadd.f32 v2, v16;
	v6 =	vadd.f32 v6, v17;
	v63 =	vld [tilespmem:s21+$0xFFFFFF22]  }
0xf1: {  	v2 =	vld [tilespmem:s21+$0xFFFFFFA0];
	v8 =	vadd.f32 v8, v11;
	v10 =	vadd.f32 v10, v13  }
0xf2: {  	v11 =	vadd.f32 v0, v15;
	v1 =	vadd.f32 v1, v6;
	v6 =	vld [tilespmem:s21+$0xFFFFFFA2]  }
0xf3: {  	v0 =	vld [tilespmem:s21+$0x20];
	v9 =	vadd.f32 v9, v8;
	v10 =	vadd.f32 v12, v10  }
0xf4: {  	v8 =	vld [tilespmem:s21+$0x22];
	v12 =	vadd.f32 v20, v11;
	v15 =	vadd.f32 v21, v1  }
0xf5: {  	v11 =	vadd.f32 v14, v9;
	v10 =	vadd.f32 v63, v10;
	v1 =	vld [tilespmem:s21+$0xA0]  }
0xf6: {  	s20 =	simm.s32 $0x0;
	v9 =	vld [tilespmem:s21+$0xA2];
	s21 =	simm.s32 $0xA700;
	v13 =	vadd.f32 v18, v12;
	v12 =	vadd.f32 v19, v15  }
.LBB2_14:
0xf7: {  	v14 =	vld [tilespmem:s21+$0x80];
	v2 =	vadd.f32 v2, v11;
	v6 =	vadd.f32 v6, v10  }
0xf8: {  	v10 =	vld [tilespmem:s21+$0x90];
	v11 =	vadd.f32 v5, v13;
	v12 =	vadd.f32 v7, v12  }
0xf9: {  	v5 =	vld [tilespmem:s21+$0x0];
	v0 =	vadd.f32 v0, v2;
	v2 =	vadd.f32 v8, v6  }
0xfa: {  	v7 =	vld [tilespmem:s21+$0x10];
	v8 =	vadd.f32 v3, v11;
	v11 =	vadd.f32 v4, v12  }
0xfb: {  	v12 =	vld [tilespmem:s21+$0xFFFFFF80];
	v1 =	vadd.f32 v1, v0;
	v9 =	vadd.f32 v9, v2  }
0xfc: {  	v15 =	vld [tilespmem:s21+$0xFFFFFF90];
	v3 =	vmov v14  }
0xfd: {  	v13 =	vld [tilespmem:s21+$0xFFFFFF00];
	v4 =	vmov v10  }
0xfe: {  	v10 =	vld [tilespmem:s21+$0xFFFFFF10]  }
0xff: {  	v14 =	vld [tilespmem:s21+$0xFFFFFF20]  }
0x100: {  	s20 =	sadd.s32 $0x4, s20;
	v16 =	vld [tilespmem:s21+$0xFFFFFF22]  }
0x101: {  	p0 =	slt.u32 s20, $0x44;
	v2 =	vld [tilespmem:s21+$0xFFFFFFA0]  }
.Ltmp6:
0x102: {  	v6 =	vld [tilespmem:s21+$0xFFFFFFA2];
	(pc) =	sbr.rel @p0 .LBB2_14-.Ltmp6, $4  }
0x103: {  	v0 =	vld [tilespmem:s21+$0x20]  }
0x104: {  	v13 =	vadd.f32 v13, v8;
	v17 =	vadd.f32 v10, v11;
	v8 =	vld [tilespmem:s21+$0x22]  }
0x105: {  	v11 =	vadd.f32 v14, v1;
	v10 =	vadd.f32 v16, v9;
	v1 =	vld [tilespmem:s21+$0xA0]  }
0x106: {  	v13 =	vadd.f32 v12, v13;
	v12 =	vadd.f32 v15, v17;
	v9 =	vld [tilespmem:s21+$0xA2];
	s21 =	sadd.s32 $0x200, s21  }
0x107: {  	_ = 	snop  }
0x108: {  	v2 =	vadd.f32 v2, v11;
	v5 =	vadd.f32 v5, v13  }
0x109: {  	v6 =	vadd.f32 v6, v10;
	v7 =	vadd.f32 v7, v12  }
0x10a: {  	v0 =	vadd.f32 v0, v2;
	v2 =	vadd.f32 v3, v5  }
0x10b: {  	v3 =	vadd.f32 v8, v6;
	v4 =	vadd.f32 v4, v7  }
0x10c: {  	v0 =	vadd.f32 v1, v0;
	v1 =	vmul.f32 $4.999999890e-03, v2  }
0x10d: {  	v2 =	vadd.f32 v9, v3;
	v3 =	vmul.f32 $4.999999890e-03, v4  }
0x10e: {  	v0 =	vmul.f32 $4.999999890e-03, v0;
	[tilespmem:$0x1449C] =	vst v1  }
0x10f: {  	[tilespmem:$0x144AC] =	vst v3;
	v1 =	vmul.f32 $4.999999890e-03, v2  }
0x110: {  	[tilespmem:$0x144BC] =	vst v0  }
0x111: {  	[tilespmem:$0x144BE] =	vst v1  }
0x112: {  	_ =	swait.ge [sflag:s17], $0x4000  }
0x113: {  	[sflag:s17] =	ssyncset.done $0x0  }
0x114: {  	[sflag:s17] =	ssyncadd.s32 $0xFFFFC000  }
0x115: {  	_ =	swait.ge [sflag:s17], $0x2400  }
0x116: {  	[sflag:s17] =	ssyncset.done $0x0  }
0x117: {  	s21 =	simm.s32 $0xC900;
	[sflag:s17] =	ssyncadd.s32 $0xFFFFDC00  }
0x118: {  	v0 =	vld [tilespmem:s21+$0x80]  }
0x119: {  	v1 =	vld [tilespmem:s21+$0x90]  }
0x11a: {  	v2 =	vld [tilespmem:s21+$0x0]  }
0x11b: {  	v6 =	vld [tilespmem:s21+$0x10]  }
0x11c: {  	v3 =	vld [tilespmem:s21+$0xFFFFFF80]  }
0x11d: {  	v4 =	vld [tilespmem:s21+$0xFFFFFF90]  }
0x11e: {  	v5 =	vld [tilespmem:s21+$0xFFFFFF00]  }
0x11f: {  	v7 =	vld [tilespmem:s21+$0xFFFFFF10]  }
0x120: {  	v9 =	vld [tilespmem:s21+$0xFFFFFF20]  }
0x121: {  	v12 =	vld [tilespmem:s21+$0xFFFFFF22]  }
0x122: {  	v11 =	vld [tilespmem:s21+$0xFFFFFFA0]  }
0x123: {  	v13 =	vld [tilespmem:s21+$0xFFFFFFA2]  }
0x124: {  	v15 =	vimm.f32 $0.0e+00;
	v8 =	vld [tilespmem:s21+$0x20]  }
0x125: {  	v10 =	vld [tilespmem:s21+$0x22];
	v5 =	vadd.f32 v5, v15;
	v7 =	vadd.f32 v7, v15  }
0x126: {  	v14 =	vadd.f32 v9, v15;
	v15 =	vadd.f32 v12, v15;
	v9 =	vld [tilespmem:s21+$0xA0]  }
0x127: {  	s20 =	simm.s32 $0x0;
	v12 =	vld [tilespmem:s21+$0xA2];
	s21 =	simm.s32 $0xCB00;
	v16 =	vadd.f32 v3, v5;
	v17 =	vadd.f32 v4, v7  }
.LBB2_16:
0x128: {  	v3 =	vld [tilespmem:s21+$0x80];
	v4 =	vadd.f32 v11, v14;
	v5 =	vadd.f32 v13, v15  }
0x129: {  	v7 =	vld [tilespmem:s21+$0x90];
	v11 =	vadd.f32 v2, v16;
	v13 =	vadd.f32 v6, v17  }
0x12a: {  	v2 =	vld [tilespmem:s21+$0x0];
	v4 =	vadd.f32 v8, v4;
	v5 =	vadd.f32 v10, v5  }
0x12b: {  	v6 =	vld [tilespmem:s21+$0x10];
	v10 =	vadd.f32 v0, v11;
	v14 =	vadd.f32 v1, v13  }
0x12c: {  	v16 =	vld [tilespmem:s21+$0xFFFFFF80];
	v4 =	vadd.f32 v9, v4;
	v5 =	vadd.f32 v12, v5  }
0x12d: {  	v12 =	vld [tilespmem:s21+$0xFFFFFF90];
	v0 =	vmov v3  }
0x12e: {  	v3 =	vld [tilespmem:s21+$0xFFFFFF00];
	v1 =	vmov v7  }
0x12f: {  	v7 =	vld [tilespmem:s21+$0xFFFFFF10]  }
0x130: {  	v9 =	vld [tilespmem:s21+$0xFFFFFF20]  }
0x131: {  	s20 =	sadd.s32 $0x4, s20;
	v15 =	vld [tilespmem:s21+$0xFFFFFF22]  }
0x132: {  	p0 =	slt.u32 s20, $0x7C;
	v11 =	vld [tilespmem:s21+$0xFFFFFFA0]  }
.Ltmp7:
0x133: {  	v13 =	vld [tilespmem:s21+$0xFFFFFFA2];
	(pc) =	sbr.rel @p0 .LBB2_16-.Ltmp7, $4  }
0x134: {  	v8 =	vld [tilespmem:s21+$0x20]  }
0x135: {  	v3 =	vadd.f32 v3, v10;
	v7 =	vadd.f32 v7, v14;
	v10 =	vld [tilespmem:s21+$0x22]  }
0x136: {  	v14 =	vadd.f32 v9, v4;
	v15 =	vadd.f32 v15, v5;
	v9 =	vld [tilespmem:s21+$0xA0]  }
0x137: {  	v16 =	vadd.f32 v16, v3;
	v17 =	vadd.f32 v12, v7;
	v12 =	vld [tilespmem:s21+$0xA2];
	s21 =	sadd.s32 $0x200, s21  }
0x138: {  	s21 =	simm.s32 $0x10900  }
0x139: {  	v3 =	vld [tilespmem:s21+$0x80]  }
0x13a: {  	v4 =	vld [tilespmem:s21+$0x90]  }
0x13b: {  	v5 =	vld [tilespmem:s21+$0x0]  }
0x13c: {  	v7 =	vld [tilespmem:s21+$0x10]  }
0x13d: {  	v18 =	vld [tilespmem:s21+$0xFFFFFF80]  }
0x13e: {  	v19 =	vld [tilespmem:s21+$0xFFFFFF90]  }
0x13f: {  	v20 =	vld [tilespmem:s21+$0xFFFFFF00]  }
0x140: {  	v21 =	vld [tilespmem:s21+$0xFFFFFF10]  }
0x141: {  	v11 =	vadd.f32 v11, v14;
	v13 =	vadd.f32 v13, v15;
	v14 =	vld [tilespmem:s21+$0xFFFFFF20]  }
0x142: {  	v15 =	vadd.f32 v2, v16;
	v6 =	vadd.f32 v6, v17;
	v63 =	vld [tilespmem:s21+$0xFFFFFF22]  }
0x143: {  	v2 =	vld [tilespmem:s21+$0xFFFFFFA0];
	v8 =	vadd.f32 v8, v11;
	v10 =	vadd.f32 v10, v13  }
0x144: {  	v11 =	vadd.f32 v0, v15;
	v1 =	vadd.f32 v1, v6;
	v6 =	vld [tilespmem:s21+$0xFFFFFFA2]  }
0x145: {  	v0 =	vld [tilespmem:s21+$0x20];
	v9 =	vadd.f32 v9, v8;
	v10 =	vadd.f32 v12, v10  }
0x146: {  	v8 =	vld [tilespmem:s21+$0x22];
	v12 =	vadd.f32 v20, v11;
	v15 =	vadd.f32 v21, v1  }
0x147: {  	v11 =	vadd.f32 v14, v9;
	v10 =	vadd.f32 v63, v10;
	v1 =	vld [tilespmem:s21+$0xA0]  }
0x148: {  	s20 =	simm.s32 $0x0;
	v9 =	vld [tilespmem:s21+$0xA2];
	s21 =	simm.s32 $0x10B00;
	v13 =	vadd.f32 v18, v12;
	v12 =	vadd.f32 v19, v15  }
.LBB2_18:
0x149: {  	v14 =	vld [tilespmem:s21+$0x80];
	v2 =	vadd.f32 v2, v11;
	v6 =	vadd.f32 v6, v10  }
0x14a: {  	v10 =	vld [tilespmem:s21+$0x90];
	v11 =	vadd.f32 v5, v13;
	v12 =	vadd.f32 v7, v12  }
0x14b: {  	v5 =	vld [tilespmem:s21+$0x0];
	v0 =	vadd.f32 v0, v2;
	v2 =	vadd.f32 v8, v6  }
0x14c: {  	v7 =	vld [tilespmem:s21+$0x10];
	v8 =	vadd.f32 v3, v11;
	v11 =	vadd.f32 v4, v12  }
0x14d: {  	v12 =	vld [tilespmem:s21+$0xFFFFFF80];
	v1 =	vadd.f32 v1, v0;
	v9 =	vadd.f32 v9, v2  }
0x14e: {  	v15 =	vld [tilespmem:s21+$0xFFFFFF90];
	v3 =	vmov v14  }
0x14f: {  	v13 =	vld [tilespmem:s21+$0xFFFFFF00];
	v4 =	vmov v10  }
0x150: {  	v10 =	vld [tilespmem:s21+$0xFFFFFF10]  }
0x151: {  	v14 =	vld [tilespmem:s21+$0xFFFFFF20]  }
0x152: {  	s20 =	sadd.s32 $0x4, s20;
	v16 =	vld [tilespmem:s21+$0xFFFFFF22]  }
0x153: {  	p0 =	slt.u32 s20, $0x44;
	v2 =	vld [tilespmem:s21+$0xFFFFFFA0]  }
.Ltmp8:
0x154: {  	v6 =	vld [tilespmem:s21+$0xFFFFFFA2];
	(pc) =	sbr.rel @p0 .LBB2_18-.Ltmp8, $4  }
0x155: {  	v0 =	vld [tilespmem:s21+$0x20]  }
0x156: {  	v13 =	vadd.f32 v13, v8;
	v17 =	vadd.f32 v10, v11;
	v8 =	vld [tilespmem:s21+$0x22]  }
0x157: {  	v11 =	vadd.f32 v14, v1;
	v10 =	vadd.f32 v16, v9;
	v1 =	vld [tilespmem:s21+$0xA0]  }
0x158: {  	v13 =	vadd.f32 v12, v13;
	v12 =	vadd.f32 v15, v17;
	v9 =	vld [tilespmem:s21+$0xA2];
	s21 =	sadd.s32 $0x200, s21  }
0x159: {  	_ = 	snop  }
0x15a: {  	v2 =	vadd.f32 v2, v11;
	v5 =	vadd.f32 v5, v13  }
0x15b: {  	v6 =	vadd.f32 v6, v10;
	v7 =	vadd.f32 v7, v12  }
0x15c: {  	v0 =	vadd.f32 v0, v2;
	v58 =	vadd.f32 v3, v5  }
0x15d: {  	v59 =	vadd.f32 v8, v6;
	v4 =	vadd.f32 v4, v7  }
0x15e: {  	v0 =	vadd.f32 v1, v0;
	v60 =	vmul.f32 $4.999999890e-03, v58  }
0x15f: {  	v61 =	vadd.f32 v9, v59;
	v62 =	vmul.f32 $4.999999890e-03, v4  }
0x160: {  	v0 =	vmul.f32 $4.999999890e-03, v0;
	[tilespmem:$0x144CE] =	vst v60  }
0x161: {  	s19 =	sadd.s32 $0x1, s19;
	v63 =	vmul.f32 $4.999999890e-03, v61;
	[tilespmem:$0x144DE] =	vst v62  }
0x162: {  	p0 =	sne.s32 s19, s6;
	[tilespmem:$0x144EE] =	vst v0  }
.Ltmp9:
0x163: {  	[tilespmem:$0x144F0] =	vst v63;
	(pc) =	sbr.rel @p0 .LBB2_1-.Ltmp9, $4  }
0x164: {  	[hbm4b:s5+s2] =	stream.linear.scatter [tilespmem:s18], [sflag:$0x3], $0x1900, $0x38;
	[tilespmem:$0x14500] =	vst v63  }
0x165: {  	_ =	swait.ge [sflag:s7], $0x1900  }
0x166: {  	[sflag:s7] =	ssyncset.done $0x0  }
0x167: {  	[sflag:s7] =	ssyncadd.s32 $0xFFFFE700  }
0x168: {  	_ =	sfence.sel $0x180000  }
0x169: {  	[bflag:$0x0] =	sbarrier.arrive $0xFFFF  }
0x16a: {  	p0 =	sne.s32 s0, $0x0;
	_ =	strace $0x90000047  }
0x16b: {  	s0 =	sadd.s32 @!p0 $0x100000, s1;
	[bflag:$0x2] =	sbarrier.arrive $0xFFFF  }
0x16c: {  	[sflag:s0] =	ssyncadd.tile.s32 @!p0 $0x1;
	_ =	shalt  }
.Lfunc_end2:
_tile_overlayer_lowered:
.L_overlay_start_2:
0x16d: {  	(tag) =	ssettag $0x2  }
0x16e: {  	s0 =	rddreg [dreg:$0x0];
	s2 =	stileid.u32  }
0x16f: {  	s1 =	rddreg [dreg:$0x1];
	p0 =	sne.s32 s2, $0x0  }
0x170: {  	s3 =	rddreg [dreg:$0x2];
	[bflag:$0x3] =	sbarrier.arrive $0xFFFF;
	s2 =	simm.s32 @!p0 $0x1C03  }
0x171: {  	[timem:s3], [sflag:s2] =	dma.local @!p0 [hbm:s0], s1  }
0x172: {  	s0 =	simm.s32 @!p0 $0x3  }
0x173: {  	_ =	swait.ge @!p0 [sflag:s0], s1  }
0x174: {  	s1 =	ssub.s32 @!p0 $0x0, s1;
	[sflag:s0] =	ssyncset.done @!p0 $0x0  }
0x175: {  	[sflag:s0] =	ssyncadd.s32 @!p0 s1  }
0x176: {  	[bflag:$0x3] =	sbarrier.arrive $0xFFFF  }
0x177: {  	_ =	shalt  }

</sc_bundles>
